<compile_context>
chip_gen: v7x
topology: tpu7x:2x2x1
jax: 0.10.2.dev20260603
libtpu: 0.0.44.dev20260713+nightly
codegen_flags: <defaults>
</compile_context>

<pallas_src>
import functools

import jax
import jax.numpy as jnp
from jax import lax
from jax.experimental import pallas as pl
from jax.experimental.pallas import tpu as pltpu
from jax.experimental.pallas import tpu_sc as plsc

VOCAB = 100000
HIDDEN = 1024
B = 4
S = 8192
N_IMG = 1024

NC = 2
NS = 16
NW = NC * NS
ROWS = B * S
RPW = ROWS // NW
CHUNK = 32
NCHUNK = RPW // CHUNK
RELAY = 16
SCAT_W = N_IMG // NW
SCAT_HALF = SCAT_W // 2


def _gather_body(ids_hbm, wte_hbm, out_hbm, idsv, rows0, rows1, rows2, spm,
                 gs0, gs1, gs2, ws0, ws1, ws2, hs, h2):
    c = lax.axis_index("c")
    s = lax.axis_index("s")
    wid = s * NC + c
    base = wid * RPW
    stage = spm.at[s]

    bufs = ((rows0, gs0, ws0), (rows1, gs1, ws1), (rows2, gs2, ws2))

    def idx(cc):
        return idsv.at[pl.ds(cc * CHUNK, CHUNK)]

    def start_gather(cc, buf, gsem):
        pltpu.async_copy(wte_hbm.at[idx(cc)], buf, gsem)

    def wait_gather(cc, buf, gsem):
        pltpu.make_async_copy(wte_hbm.at[idx(cc)], buf, gsem).wait()

    def start_wb(cc, buf, wsem):
        pltpu.async_copy(buf, out_hbm.at[pl.ds(base + cc * CHUNK, CHUNK)],
                         wsem)

    def wait_wb(cc, buf, wsem):
        pltpu.make_async_copy(buf, out_hbm.at[pl.ds(base + cc * CHUNK, CHUNK)],
                              wsem).wait()

    pltpu.sync_copy(ids_hbm.at[pl.ds(base, RPW)], idsv)

    start_gather(0, rows0, gs0)
    start_gather(1, rows1, gs1)
    wait_gather(0, rows0, gs0)
    start_wb(0, rows0, ws0)
    start_gather(2, rows2, gs2)

    @pl.loop(1, NCHUNK - 1, step=3)
    def _main(ci):
        for db in range(3):
            cc = ci + db
            buf, gsem, wsem = bufs[(db + 1) % 3]
            wait_gather(cc, buf, gsem)
            if db == 1:
                @pl.when(cc >= 5)
                def _wait_prev_hop2():
                    pltpu.make_async_copy(
                        stage,
                        out_hbm.at[pl.ds(base + (cc - 3) * CHUNK, RELAY)],
                        h2).wait()
                pltpu.async_copy(buf.at[pl.ds(0, RELAY)], stage, hs)
                pltpu.async_copy(
                    buf.at[pl.ds(RELAY, CHUNK - RELAY)],
                    out_hbm.at[pl.ds(base + cc * CHUNK + RELAY,
                                     CHUNK - RELAY)],
                    wsem)
            else:
                start_wb(cc, buf, wsem)
            nxt = cc + 2
            bn, gn, wn = bufs[(db + 3) % 3]
            if db == 2:
                cp = cc - 1
                pltpu.make_async_copy(bn.at[pl.ds(0, RELAY)], stage,
                                      hs).wait()
                pltpu.make_async_copy(
                    bn.at[pl.ds(RELAY, CHUNK - RELAY)],
                    out_hbm.at[pl.ds(base + cp * CHUNK + RELAY,
                                     CHUNK - RELAY)],
                    wn).wait()
                pltpu.async_copy(
                    stage, out_hbm.at[pl.ds(base + cp * CHUNK, RELAY)], h2)
            else:
                wait_wb(nxt - 3, bn, wn)

            @pl.when(nxt < NCHUNK)
            def _rearm():
                start_gather(nxt, bn, gn)

    buf, gsem, wsem = bufs[(NCHUNK - 1) % 3]
    wait_gather(NCHUNK - 1, buf, gsem)
    start_wb(NCHUNK - 1, buf, wsem)
    b2, _, w2 = bufs[(NCHUNK - 2) % 3]
    wait_wb(NCHUNK - 2, b2, w2)
    wait_wb(NCHUNK - 1, buf, wsem)
    pltpu.make_async_copy(
        stage, out_hbm.at[pl.ds(base + (NCHUNK - 3) * CHUNK, RELAY)],
        h2).wait()


def _scatter_body(dest_hbm, lcidx_hbm, lcf_hbm, out_ref, destv, lcidxv,
                  rows0, rows1, gsem0, gsem1):
    c = lax.axis_index("c")
    s = lax.axis_index("s")
    wid = s * NC + c
    pltpu.sync_copy(dest_hbm.at[wid], destv)
    pltpu.sync_copy(lcidx_hbm.at[wid], lcidxv)
    pltpu.async_copy(lcf_hbm.at[lcidxv.at[0]], rows0, gsem0)
    pltpu.async_copy(lcf_hbm.at[lcidxv.at[1]], rows1, gsem1)
    pltpu.make_async_copy(lcf_hbm.at[lcidxv.at[0]], rows0, gsem0).wait()
    pltpu.async_copy(rows0, out_ref.at[destv.at[0]], gsem0)
    pltpu.make_async_copy(lcf_hbm.at[lcidxv.at[1]], rows1, gsem1).wait()
    pltpu.async_copy(rows1, out_ref.at[destv.at[1]], gsem1)
    pltpu.make_async_copy(rows0, out_ref.at[destv.at[0]], gsem0).wait()
    pltpu.make_async_copy(rows1, out_ref.at[destv.at[1]], gsem1).wait()


def _mm_body(lc_ref, w_ref, b_ref, o_ref):
    o_ref[...] = (
        jnp.dot(lc_ref[...], w_ref[...], preferred_element_type=jnp.float32)
        + b_ref[...]
    )


def _prep_scatter(pos_batch, pos_seq):
    j = jnp.arange(N_IMG, dtype=jnp.int32)
    winner = jnp.full((B, S), -1, jnp.int32).at[pos_batch, pos_seq].set(j)
    keep = winner[pos_batch, pos_seq] == j
    flat = pos_batch.astype(jnp.int32) * S + pos_seq.astype(jnp.int32)

    rank = jnp.cumsum(keep.astype(jnp.int32)) - 1
    n = rank[-1] + 1
    slot = jnp.where(keep, rank, N_IMG)
    pairs = jnp.zeros((N_IMG, 2), jnp.int32).at[slot].set(
        jnp.stack([flat, j], axis=1), mode="drop")
    pairs = jnp.where(j[:, None] < n, pairs, pairs[0])

    per_w = pairs.reshape(NW, 2, SCAT_HALF, 2)
    return per_w[:, :, :, 0], per_w[:, :, :, 1]


@functools.cache
def _build_kernels():
    mesh = plsc.VectorSubcoreMesh(
        core_axis_name="c", subcore_axis_name="s", num_cores=NC,
        num_subcores=NS,
    )
    gather = pl.kernel(
        _gather_body,
        out_type=jax.ShapeDtypeStruct((ROWS, HIDDEN), jnp.float32),
        mesh=mesh,
        scratch_types=[
            pltpu.VMEM((RPW,), jnp.int32),
            pltpu.VMEM((CHUNK, HIDDEN), jnp.float32),
            pltpu.VMEM((CHUNK, HIDDEN), jnp.float32),
            pltpu.VMEM((CHUNK, HIDDEN), jnp.float32),
            pltpu.VMEM_SHARED((NS, RELAY, HIDDEN), jnp.float32),
            pltpu.SemaphoreType.DMA,
            pltpu.SemaphoreType.DMA,
            pltpu.SemaphoreType.DMA,
            pltpu.SemaphoreType.DMA,
            pltpu.SemaphoreType.DMA,
            pltpu.SemaphoreType.DMA,
            pltpu.SemaphoreType.DMA,
            pltpu.SemaphoreType.DMA,
        ],
    )
    scatter = pl.kernel(
        _scatter_body,
        out_type=(),
        mesh=mesh,
        scratch_types=[
            pltpu.VMEM((2, SCAT_HALF), jnp.int32),
            pltpu.VMEM((2, SCAT_HALF), jnp.int32),
            pltpu.VMEM((SCAT_HALF, HIDDEN), jnp.float32),
            pltpu.VMEM((SCAT_HALF, HIDDEN), jnp.float32),
            pltpu.SemaphoreType.DMA,
            pltpu.SemaphoreType.DMA,
        ],
    )
    return gather, scatter


def kernel(input_ids, lc_values, pos_batch, pos_seq, wte, W, b):
    gather, scatter = _build_kernels()
    ids = input_ids.astype(jnp.int32).reshape(-1)
    dest_arr, lcidx_arr = _prep_scatter(pos_batch, pos_seq)

    lc_features = pl.pallas_call(
        _mm_body,
        out_shape=jax.ShapeDtypeStruct((N_IMG, HIDDEN), jnp.float32),
    )(lc_values, W, b.reshape(1, HIDDEN))

    out = gather(ids, wte)
    out_ref = jax.new_ref(out)
    scatter(dest_arr, lcidx_arr, lc_features, out_ref)
    return out_ref[...].reshape(B, S, HIDDEN)

# --- scband reference (transcript-rebuilt; emitter-appended) ---
"""Pipeline reference for scband-l3-mlc-embedding-41034117546155 (READ-ONLY COPY).

The authoritative reference and input builder live on the scoring server;
editing this copy changes nothing except your own understanding.
"""

import jax, jax.numpy as jnp
import numpy as np

VOCAB = 100000
HIDDEN = 1024
LC_DIM = 1024
B = 4
S = 8192
N_IMG = 1024


def setup_inputs(seed: int = 0) -> dict:
    key = jax.random.key(seed)
    k1, k2, k3, k4, k5, k6 = jax.random.split(key, 6)
    input_ids = jax.random.randint(k1, (B, S), 0, VOCAB)
    lc_values = jax.random.normal(k2, (N_IMG, LC_DIM), dtype=jnp.float32)
    pos_batch = jax.random.randint(k3, (N_IMG,), 0, B)
    pos_seq = jax.random.randint(k4, (N_IMG,), 0, S)
    # Learned params: wte table (vocab_size+1 rows because forward clamps ids to
    # [0, vocab_size] inclusive) and linear lc_connector weights.
    wte = jax.random.normal(k5, (VOCAB + 1, HIDDEN), dtype=jnp.float32) * 0.02
    W = jax.random.normal(k6, (LC_DIM, HIDDEN), dtype=jnp.float32) * (1.0 / np.sqrt(LC_DIM))
    b = jnp.zeros((HIDDEN,), dtype=jnp.float32)
    return {
        "input_ids": input_ids,
        "lc_values": lc_values,
        "pos_batch": pos_batch,
        "pos_seq": pos_seq,
        "wte": wte,
        "W": W,
        "b": b,
    }


def reference(input_ids, lc_values, pos_batch, pos_seq, wte, W, b):
    # input_ids.view(-1, S): already [B, S]
    # positions are provided explicitly (tuple of batch/seq indices of image slots)
    # input_ids.clamp_min(0).clamp_max(vocab_size)
    ids = jnp.clip(input_ids, 0, VOCAB)
    # hidden_states = self.wte(input_ids)  (model_from_scratch == False)
    hidden_states = jnp.take(wte, ids, axis=0)
    # lc_features = self.lc_connector(lc_values)  (linear connector)
    lc_features = lc_values @ W + b
    # hidden_states.index_put(positions, lc_features, accumulate=False)
    hidden_states = hidden_states.at[pos_batch, pos_seq].set(lc_features.astype(hidden_states.dtype))
    return hidden_states

if __name__ == "__main__":
    import jax
    _d = setup_inputs()
    print(jax.jit(kernel)(*tuple(_d.values())))

</pallas_src>

<mosaic_0001>
#map = affine_map<(d0, d1) -> (0)>
#map1 = affine_map<(d0, d1) -> (0, 0)>
module attributes {stable_mosaic.version = 14 : i64} {
  func.func @_gather_body(%arg0: i32, %arg1: i32, %arg2: memref<32768xi32, #tpu.memory_space<hbm>>, %arg3: memref<100001x1024xf32, #tpu.memory_space<hbm>>, %arg4: memref<32768x1024xf32, #tpu.memory_space<hbm>>, %arg5: memref<1024xi32, #tpu.memory_space<vmem>>, %arg6: memref<32x1024xf32, #tpu.memory_space<vmem>>, %arg7: memref<32x1024xf32, #tpu.memory_space<vmem>>, %arg8: memref<32x1024xf32, #tpu.memory_space<vmem>>, %arg9: memref<16x16x1024xf32, #tpu.memory_space<vmem_shared>>, %arg10: memref<!tpu.dma_semaphore, #tpu.memory_space<semaphore_mem>>, %arg11: memref<!tpu.dma_semaphore, #tpu.memory_space<semaphore_mem>>, %arg12: memref<!tpu.dma_semaphore, #tpu.memory_space<semaphore_mem>>, %arg13: memref<!tpu.dma_semaphore, #tpu.memory_space<semaphore_mem>>, %arg14: memref<!tpu.dma_semaphore, #tpu.memory_space<semaphore_mem>>, %arg15: memref<!tpu.dma_semaphore, #tpu.memory_space<semaphore_mem>>, %arg16: memref<!tpu.dma_semaphore, #tpu.memory_space<semaphore_mem>>, %arg17: memref<!tpu.dma_semaphore, #tpu.memory_space<semaphore_mem>>) attributes {dimension_semantics = [#tpu.dimension_semantics<core_parallel>, #tpu.dimension_semantics<subcore_parallel>], iteration_bounds = array<i64: 2, 16>, scalar_prefetch = 0 : i64, scratch_operands = 13 : i64, tpu.core_type = #tpu.core_type<sc_vector_subcore>, window_params = [{transform_indices = #map}, {transform_indices = #map1}, {transform_indices = #map1}]} {
    %mul3A = arith.constant 2 : i32
    %mul3A_0 = arith.muli %arg1, %mul3A : i32
    %add3A = arith.addi %mul3A_0, %arg0 : i32
    %mul3A_1 = arith.constant 1024 : i32
    %mul3A_2 = arith.muli %add3A, %mul3A_1 : i32
    "tpu.region"() ({
      %run_scoped3A = tpu.sem_alloc : memref<!tpu.dma_semaphore, #tpu.memory_space<semaphore_mem>>
      %dma_start3A_62 = tpu.memref_slice %arg2[%mul3A_2] : memref<32768xi32, #tpu.memory_space<hbm>> -> memref<1024xi32, #tpu.memory_space<hbm>>
      %dma_start3A_63 = tpu.memref_slice %arg2[%mul3A_2] : memref<32768xi32, #tpu.memory_space<hbm>> -> memref<1024xi32, #tpu.memory_space<hbm>>
      tpu.enqueue_dma source(%dma_start3A_63 : memref<1024xi32, #tpu.memory_space<hbm>>) target(%arg5 : memref<1024xi32, #tpu.memory_space<vmem>>) target_semaphore(%run_scoped3A : memref<!tpu.dma_semaphore, #tpu.memory_space<semaphore_mem>>)
      %dma_wait3A_64 = tpu.memref_slice %arg2[%mul3A_2] : memref<32768xi32, #tpu.memory_space<hbm>> -> memref<1024xi32, #tpu.memory_space<hbm>>
      %dma_wait3A_65 = tpu.memref_slice %arg2[%mul3A_2] : memref<32768xi32, #tpu.memory_space<hbm>> -> memref<1024xi32, #tpu.memory_space<hbm>>
      tpu.wait_dma2 semaphore(%run_scoped3A : memref<!tpu.dma_semaphore, #tpu.memory_space<semaphore_mem>>) src(%dma_wait3A_65 : memref<1024xi32, #tpu.memory_space<hbm>>) dst(%arg5 : memref<1024xi32, #tpu.memory_space<vmem>>)
      tpu.yield
    }) : () -> ()
    %dma_start3A = arith.constant 0 : i32
    %dma_start3A_3 = tpu.memref_slice %arg5[%dma_start3A] : memref<1024xi32, #tpu.memory_space<vmem>> -> memref<32xi32, #tpu.memory_space<vmem>>
    %dma_start3A_4 = arith.constant 0 : i32
    %dma_start3A_5 = arith.constant 0 : i32
    %dma_start3A_6 = tpu.memref_slice %arg3[%dma_start3A_4, %dma_start3A_5] : memref<100001x1024xf32, #tpu.memory_space<hbm>> -> memref<100001x1024xf32, #tpu.memory_space<hbm>>
    tpu.enqueue_indirect_dma source(%dma_start3A_6 : memref<100001x1024xf32, #tpu.memory_space<hbm>>) target(%arg6 : memref<32x1024xf32, #tpu.memory_space<vmem>>) offsets(%dma_start3A_3 : memref<32xi32, #tpu.memory_space<vmem>>) semaphore(%arg10 : memref<!tpu.dma_semaphore, #tpu.memory_space<semaphore_mem>>)
    %dma_start3A_7 = arith.constant 32 : i32
    %dma_start3A_8 = tpu.memref_slice %arg5[%dma_start3A_7] : memref<1024xi32, #tpu.memory_space<vmem>> -> memref<32xi32, #tpu.memory_space<vmem>>
    %dma_start3A_9 = arith.constant 0 : i32
    %dma_start3A_10 = arith.constant 0 : i32
    %dma_start3A_11 = tpu.memref_slice %arg3[%dma_start3A_9, %dma_start3A_10] : memref<100001x1024xf32, #tpu.memory_space<hbm>> -> memref<100001x1024xf32, #tpu.memory_space<hbm>>
    tpu.enqueue_indirect_dma source(%dma_start3A_11 : memref<100001x1024xf32, #tpu.memory_space<hbm>>) target(%arg7 : memref<32x1024xf32, #tpu.memory_space<vmem>>) offsets(%dma_start3A_8 : memref<32xi32, #tpu.memory_space<vmem>>) semaphore(%arg11 : memref<!tpu.dma_semaphore, #tpu.memory_space<semaphore_mem>>)
    %dma_wait3A = arith.constant 0 : i32
    %dma_wait3A_12 = tpu.memref_slice %arg5[%dma_wait3A] : memref<1024xi32, #tpu.memory_space<vmem>> -> memref<32xi32, #tpu.memory_space<vmem>>
    %dma_wait3A_13 = arith.constant 0 : i32
    %dma_wait3A_14 = arith.constant 0 : i32
    %dma_wait3A_15 = tpu.memref_slice %arg3[%dma_wait3A_13, %dma_wait3A_14] : memref<100001x1024xf32, #tpu.memory_space<hbm>> -> memref<100001x1024xf32, #tpu.memory_space<hbm>>
    tpu.wait_indirect_dma semaphore(%arg10 : memref<!tpu.dma_semaphore, #tpu.memory_space<semaphore_mem>>) src(%dma_wait3A_15 : memref<100001x1024xf32, #tpu.memory_space<hbm>>) dst(%arg6 : memref<32x1024xf32, #tpu.memory_space<vmem>>)
    %add3A_16 = arith.constant 0 : i32
    %add3A_17 = arith.addi %mul3A_2, %add3A_16 : i32
    %dma_start3A_18 = arith.constant 0 : i32
    %dma_start3A_19 = tpu.memref_slice %arg4[%add3A_17, %dma_start3A_18] : memref<32768x1024xf32, #tpu.memory_space<hbm>> -> memref<32x1024xf32, #tpu.memory_space<hbm>>
    %dma_start3A_20 = arith.constant 0 : i32
    %dma_start3A_21 = tpu.memref_slice %arg4[%add3A_17, %dma_start3A_20] : memref<32768x1024xf32, #tpu.memory_space<hbm>> -> memref<32x1024xf32, #tpu.memory_space<hbm>>
    tpu.enqueue_dma source(%arg6 : memref<32x1024xf32, #tpu.memory_space<vmem>>) target(%dma_start3A_21 : memref<32x1024xf32, #tpu.memory_space<hbm>>) target_semaphore(%arg13 : memref<!tpu.dma_semaphore, #tpu.memory_space<semaphore_mem>>)
    %dma_start3A_22 = arith.constant 64 : i32
    %dma_start3A_23 = tpu.memref_slice %arg5[%dma_start3A_22] : memref<1024xi32, #tpu.memory_space<vmem>> -> memref<32xi32, #tpu.memory_space<vmem>>
    %dma_start3A_24 = arith.constant 0 : i32
    %dma_start3A_25 = arith.constant 0 : i32
    %dma_start3A_26 = tpu.memref_slice %arg3[%dma_start3A_24, %dma_start3A_25] : memref<100001x1024xf32, #tpu.memory_space<hbm>> -> memref<100001x1024xf32, #tpu.memory_space<hbm>>
    tpu.enqueue_indirect_dma source(%dma_start3A_26 : memref<100001x1024xf32, #tpu.memory_space<hbm>>) target(%arg8 : memref<32x1024xf32, #tpu.memory_space<vmem>>) offsets(%dma_start3A_23 : memref<32xi32, #tpu.memory_space<vmem>>) semaphore(%arg12 : memref<!tpu.dma_semaphore, #tpu.memory_space<semaphore_mem>>)
    %scan3A = arith.constant 0 : i32
    %scan3A_27 = arith.constant 10 : i32
    %scan3A_28 = arith.addi %scan3A, %scan3A_27 : i32
    %scan3A_29 = arith.constant 1 : i32
    scf.for %scan3A_62 = %scan3A to %scan3A_28 step %scan3A_29  : i32 {
      %mul3A_63 = arith.constant 3 : i32
      %mul3A_64 = arith.muli %scan3A_62, %mul3A_63 : i32
      %add3A_65 = arith.constant 1 : i32
      %add3A_66 = arith.addi %add3A_65, %mul3A_64 : i32
      %add3A_67 = arith.constant 0 : i32
      %add3A_68 = arith.addi %add3A_66, %add3A_67 : i32
      %mul3A_69 = arith.constant 32 : i32
      %mul3A_70 = arith.muli %add3A_68, %mul3A_69 : i32
      %dma_wait3A_71 = tpu.memref_slice %arg5[%mul3A_70] : memref<1024xi32, #tpu.memory_space<vmem>> -> memref<32xi32, #tpu.memory_space<vmem>>
      %dma_wait3A_72 = arith.constant 0 : i32
      %dma_wait3A_73 = arith.constant 0 : i32
      %dma_wait3A_74 = tpu.memref_slice %arg3[%dma_wait3A_72, %dma_wait3A_73] : memref<100001x1024xf32, #tpu.memory_space<hbm>> -> memref<100001x1024xf32, #tpu.memory_space<hbm>>
      tpu.wait_indirect_dma semaphore(%arg11 : memref<!tpu.dma_semaphore, #tpu.memory_space<semaphore_mem>>) src(%dma_wait3A_74 : memref<100001x1024xf32, #tpu.memory_space<hbm>>) dst(%arg7 : memref<32x1024xf32, #tpu.memory_space<vmem>>)
      %mul3A_75 = arith.constant 32 : i32
      %mul3A_76 = arith.muli %add3A_68, %mul3A_75 : i32
      %add3A_77 = arith.addi %mul3A_2, %mul3A_76 : i32
      %dma_start3A_78 = arith.constant 0 : i32
      %dma_start3A_79 = tpu.memref_slice %arg4[%add3A_77, %dma_start3A_78] : memref<32768x1024xf32, #tpu.memory_space<hbm>> -> memref<32x1024xf32, #tpu.memory_space<hbm>>
      %dma_start3A_80 = arith.constant 0 : i32
      %dma_start3A_81 = tpu.memref_slice %arg4[%add3A_77, %dma_start3A_80] : memref<32768x1024xf32, #tpu.memory_space<hbm>> -> memref<32x1024xf32, #tpu.memory_space<hbm>>
      tpu.enqueue_dma source(%arg7 : memref<32x1024xf32, #tpu.memory_space<vmem>>) target(%dma_start3A_81 : memref<32x1024xf32, #tpu.memory_space<hbm>>) target_semaphore(%arg14 : memref<!tpu.dma_semaphore, #tpu.memory_space<semaphore_mem>>)
      %add3A_82 = arith.constant 2 : i32
      %add3A_83 = arith.addi %add3A_68, %add3A_82 : i32
      %sub3A = arith.constant 3 : i32
      %sub3A_84 = arith.subi %add3A_83, %sub3A : i32
      %mul3A_85 = arith.constant 32 : i32
      %mul3A_86 = arith.muli %sub3A_84, %mul3A_85 : i32
      %add3A_87 = arith.addi %mul3A_2, %mul3A_86 : i32
      %dma_wait3A_88 = arith.constant 0 : i32
      %dma_wait3A_89 = tpu.memref_slice %arg4[%add3A_87, %dma_wait3A_88] : memref<32768x1024xf32, #tpu.memory_space<hbm>> -> memref<32x1024xf32, #tpu.memory_space<hbm>>
      %dma_wait3A_90 = arith.constant 0 : i32
      %dma_wait3A_91 = tpu.memref_slice %arg4[%add3A_87, %dma_wait3A_90] : memref<32768x1024xf32, #tpu.memory_space<hbm>> -> memref<32x1024xf32, #tpu.memory_space<hbm>>
      tpu.wait_dma2 semaphore(%arg13 : memref<!tpu.dma_semaphore, #tpu.memory_space<semaphore_mem>>) src(%arg6 : memref<32x1024xf32, #tpu.memory_space<vmem>>) dst(%dma_wait3A_91 : memref<32x1024xf32, #tpu.memory_space<hbm>>)
      %lt3A = arith.constant 32 : i32
      %lt3A_92 = arith.cmpi slt, %add3A_83, %lt3A : i32
      %convert_element_type3A = arith.extui %lt3A_92 : i1 to i32
      %cond3A = arith.constant 0 : i32
      %cond3A_93 = arith.cmpi ne, %convert_element_type3A, %cond3A : i32
      scf.if %cond3A_93 {
        %mul3A_213 = arith.constant 32 : i32
        %mul3A_214 = arith.muli %add3A_83, %mul3A_213 : i32
        %dma_start3A_215 = tpu.memref_slice %arg5[%mul3A_214] : memref<1024xi32, #tpu.memory_space<vmem>> -> memref<32xi32, #tpu.memory_space<vmem>>
        %dma_start3A_216 = arith.constant 0 : i32
        %dma_start3A_217 = arith.constant 0 : i32
        %dma_start3A_218 = tpu.memref_slice %arg3[%dma_start3A_216, %dma_start3A_217] : memref<100001x1024xf32, #tpu.memory_space<hbm>> -> memref<100001x1024xf32, #tpu.memory_space<hbm>>
        tpu.enqueue_indirect_dma source(%dma_start3A_218 : memref<100001x1024xf32, #tpu.memory_space<hbm>>) target(%arg6 : memref<32x1024xf32, #tpu.memory_space<vmem>>) offsets(%dma_start3A_215 : memref<32xi32, #tpu.memory_space<vmem>>) semaphore(%arg10 : memref<!tpu.dma_semaphore, #tpu.memory_space<semaphore_mem>>)
      } else {
      }
      %add3A_94 = arith.constant 1 : i32
      %add3A_95 = arith.addi %add3A_66, %add3A_94 : i32
      %mul3A_96 = arith.constant 32 : i32
      %mul3A_97 = arith.muli %add3A_95, %mul3A_96 : i32
      %dma_wait3A_98 = tpu.memref_slice %arg5[%mul3A_97] : memref<1024xi32, #tpu.memory_space<vmem>> -> memref<32xi32, #tpu.memory_space<vmem>>
      %dma_wait3A_99 = arith.constant 0 : i32
      %dma_wait3A_100 = arith.constant 0 : i32
      %dma_wait3A_101 = tpu.memref_slice %arg3[%dma_wait3A_99, %dma_wait3A_100] : memref<100001x1024xf32, #tpu.memory_space<hbm>> -> memref<100001x1024xf32, #tpu.memory_space<hbm>>
      tpu.wait_indirect_dma semaphore(%arg12 : memref<!tpu.dma_semaphore, #tpu.memory_space<semaphore_mem>>) src(%dma_wait3A_101 : memref<100001x1024xf32, #tpu.memory_space<hbm>>) dst(%arg8 : memref<32x1024xf32, #tpu.memory_space<vmem>>)
      %ge3A = arith.constant 5 : i32
      %ge3A_102 = arith.cmpi sge, %add3A_95, %ge3A : i32
      %convert_element_type3A_103 = arith.extui %ge3A_102 : i1 to i32
      %cond3A_104 = arith.constant 0 : i32
      %cond3A_105 = arith.cmpi ne, %convert_element_type3A_103, %cond3A_104 : i32
      scf.if %cond3A_105 {
        %sub3A_213 = arith.constant 3 : i32
        %sub3A_214 = arith.subi %add3A_95, %sub3A_213 : i32
        %mul3A_215 = arith.constant 32 : i32
        %mul3A_216 = arith.muli %sub3A_214, %mul3A_215 : i32
        %add3A_217 = arith.addi %mul3A_2, %mul3A_216 : i32
        %dma_wait3A_218 = arith.constant 0 : i32
        %dma_wait3A_219 = tpu.memref_slice %arg4[%add3A_217, %dma_wait3A_218] : memref<32768x1024xf32, #tpu.memory_space<hbm>> -> memref<16x1024xf32, #tpu.memory_space<hbm>>
        %dma_wait3A_220 = arith.constant 0 : i32
        %dma_wait3A_221 = arith.constant 0 : i32
        %dma_wait3A_222 = tpu.memref_slice %arg9[%arg1, %dma_wait3A_220, %dma_wait3A_221] : memref<16x16x1024xf32, #tpu.memory_space<vmem_shared>> -> memref<1x16x1024xf32, #tpu.memory_space<vmem_shared>>
        %dma_wait3A_223 = tpu.memref_squeeze %dma_wait3A_222 : memref<1x16x1024xf32, #tpu.memory_space<vmem_shared>> -> memref<16x1024xf32, #tpu.memory_space<vmem_shared>>
        tpu.wait_dma2 semaphore(%arg17 : memref<!tpu.dma_semaphore, #tpu.memory_space<semaphore_mem>>) src(%dma_wait3A_223 : memref<16x1024xf32, #tpu.memory_space<vmem_shared>>) dst(%dma_wait3A_219 : memref<16x1024xf32, #tpu.memory_space<hbm>>)
      } else {
      }
      %dma_start3A_106 = arith.constant 0 : i32
      %dma_start3A_107 = arith.constant 0 : i32
      %dma_start3A_108 = tpu.memref_slice %arg8[%dma_start3A_106, %dma_start3A_107] : memref<32x1024xf32, #tpu.memory_space<vmem>> -> memref<16x1024xf32, #tpu.memory_space<vmem>>
      %dma_start3A_109 = arith.constant 0 : i32
      %dma_start3A_110 = arith.constant 0 : i32
      %dma_start3A_111 = tpu.memref_slice %arg9[%arg1, %dma_start3A_109, %dma_start3A_110] : memref<16x16x1024xf32, #tpu.memory_space<vmem_shared>> -> memref<1x16x1024xf32, #tpu.memory_space<vmem_shared>>
      %dma_start3A_112 = tpu.memref_squeeze %dma_start3A_111 : memref<1x16x1024xf32, #tpu.memory_space<vmem_shared>> -> memref<16x1024xf32, #tpu.memory_space<vmem_shared>>
      %dma_start3A_113 = arith.constant 0 : i32
      %dma_start3A_114 = arith.constant 0 : i32
      %dma_start3A_115 = tpu.memref_slice %arg9[%arg1, %dma_start3A_113, %dma_start3A_114] : memref<16x16x1024xf32, #tpu.memory_space<vmem_shared>> -> memref<1x16x1024xf32, #tpu.memory_space<vmem_shared>>
      %dma_start3A_116 = tpu.memref_squeeze %dma_start3A_115 : memref<1x16x1024xf32, #tpu.memory_space<vmem_shared>> -> memref<16x1024xf32, #tpu.memory_space<vmem_shared>>
      %dma_start3A_117 = arith.constant 0 : i32
      %dma_start3A_118 = arith.constant 0 : i32
      %dma_start3A_119 = tpu.memref_slice %arg8[%dma_start3A_117, %dma_start3A_118] : memref<32x1024xf32, #tpu.memory_space<vmem>> -> memref<16x1024xf32, #tpu.memory_space<vmem>>
      tpu.enqueue_dma source(%dma_start3A_119 : memref<16x1024xf32, #tpu.memory_space<vmem>>) target(%dma_start3A_116 : memref<16x1024xf32, #tpu.memory_space<vmem_shared>>) target_semaphore(%arg16 : memref<!tpu.dma_semaphore, #tpu.memory_space<semaphore_mem>>)
      %mul3A_120 = arith.constant 32 : i32
      %mul3A_121 = arith.muli %add3A_95, %mul3A_120 : i32
      %add3A_122 = arith.addi %mul3A_2, %mul3A_121 : i32
      %add3A_123 = arith.constant 16 : i32
      %add3A_124 = arith.addi %add3A_122, %add3A_123 : i32
      %dma_start3A_125 = arith.constant 16 : i32
      %dma_start3A_126 = arith.constant 0 : i32
      %dma_start3A_127 = tpu.memref_slice %arg8[%dma_start3A_125, %dma_start3A_126] : memref<32x1024xf32, #tpu.memory_space<vmem>> -> memref<16x1024xf32, #tpu.memory_space<vmem>>
      %dma_start3A_128 = arith.constant 0 : i32
      %dma_start3A_129 = tpu.memref_slice %arg4[%add3A_124, %dma_start3A_128] : memref<32768x1024xf32, #tpu.memory_space<hbm>> -> memref<16x1024xf32, #tpu.memory_space<hbm>>
      %dma_start3A_130 = arith.constant 0 : i32
      %dma_start3A_131 = tpu.memref_slice %arg4[%add3A_124, %dma_start3A_130] : memref<32768x1024xf32, #tpu.memory_space<hbm>> -> memref<16x1024xf32, #tpu.memory_space<hbm>>
      %dma_start3A_132 = arith.constant 16 : i32
      %dma_start3A_133 = arith.constant 0 : i32
      %dma_start3A_134 = tpu.memref_slice %arg8[%dma_start3A_132, %dma_start3A_133] : memref<32x1024xf32, #tpu.memory_space<vmem>> -> memref<16x1024xf32, #tpu.memory_space<vmem>>
      tpu.enqueue_dma source(%dma_start3A_134 : memref<16x1024xf32, #tpu.memory_space<vmem>>) target(%dma_start3A_131 : memref<16x1024xf32, #tpu.memory_space<hbm>>) target_semaphore(%arg15 : memref<!tpu.dma_semaphore, #tpu.memory_space<semaphore_mem>>)
      %add3A_135 = arith.constant 2 : i32
      %add3A_136 = arith.addi %add3A_95, %add3A_135 : i32
      %sub3A_137 = arith.constant 3 : i32
      %sub3A_138 = arith.subi %add3A_136, %sub3A_137 : i32
      %mul3A_139 = arith.constant 32 : i32
      %mul3A_140 = arith.muli %sub3A_138, %mul3A_139 : i32
      %add3A_141 = arith.addi %mul3A_2, %mul3A_140 : i32
      %dma_wait3A_142 = arith.constant 0 : i32
      %dma_wait3A_143 = tpu.memref_slice %arg4[%add3A_141, %dma_wait3A_142] : memref<32768x1024xf32, #tpu.memory_space<hbm>> -> memref<32x1024xf32, #tpu.memory_space<hbm>>
      %dma_wait3A_144 = arith.constant 0 : i32
      %dma_wait3A_145 = tpu.memref_slice %arg4[%add3A_141, %dma_wait3A_144] : memref<32768x1024xf32, #tpu.memory_space<hbm>> -> memref<32x1024xf32, #tpu.memory_space<hbm>>
      tpu.wait_dma2 semaphore(%arg14 : memref<!tpu.dma_semaphore, #tpu.memory_space<semaphore_mem>>) src(%arg7 : memref<32x1024xf32, #tpu.memory_space<vmem>>) dst(%dma_wait3A_145 : memref<32x1024xf32, #tpu.memory_space<hbm>>)
      %lt3A_146 = arith.constant 32 : i32
      %lt3A_147 = arith.cmpi slt, %add3A_136, %lt3A_146 : i32
      %convert_element_type3A_148 = arith.extui %lt3A_147 : i1 to i32
      %cond3A_149 = arith.constant 0 : i32
      %cond3A_150 = arith.cmpi ne, %convert_element_type3A_148, %cond3A_149 : i32
      scf.if %cond3A_150 {
        %mul3A_213 = arith.constant 32 : i32
        %mul3A_214 = arith.muli %add3A_136, %mul3A_213 : i32
        %dma_start3A_215 = tpu.memref_slice %arg5[%mul3A_214] : memref<1024xi32, #tpu.memory_space<vmem>> -> memref<32xi32, #tpu.memory_space<vmem>>
        %dma_start3A_216 = arith.constant 0 : i32
        %dma_start3A_217 = arith.constant 0 : i32
        %dma_start3A_218 = tpu.memref_slice %arg3[%dma_start3A_216, %dma_start3A_217] : memref<100001x1024xf32, #tpu.memory_space<hbm>> -> memref<100001x1024xf32, #tpu.memory_space<hbm>>
        tpu.enqueue_indirect_dma source(%dma_start3A_218 : memref<100001x1024xf32, #tpu.memory_space<hbm>>) target(%arg7 : memref<32x1024xf32, #tpu.memory_space<vmem>>) offsets(%dma_start3A_215 : memref<32xi32, #tpu.memory_space<vmem>>) semaphore(%arg11 : memref<!tpu.dma_semaphore, #tpu.memory_space<semaphore_mem>>)
      } else {
      }
      %add3A_151 = arith.constant 2 : i32
      %add3A_152 = arith.addi %add3A_66, %add3A_151 : i32
      %mul3A_153 = arith.constant 32 : i32
      %mul3A_154 = arith.muli %add3A_152, %mul3A_153 : i32
      %dma_wait3A_155 = tpu.memref_slice %arg5[%mul3A_154] : memref<1024xi32, #tpu.memory_space<vmem>> -> memref<32xi32, #tpu.memory_space<vmem>>
      %dma_wait3A_156 = arith.constant 0 : i32
      %dma_wait3A_157 = arith.constant 0 : i32
      %dma_wait3A_158 = tpu.memref_slice %arg3[%dma_wait3A_156, %dma_wait3A_157] : memref<100001x1024xf32, #tpu.memory_space<hbm>> -> memref<100001x1024xf32, #tpu.memory_space<hbm>>
      tpu.wait_indirect_dma semaphore(%arg10 : memref<!tpu.dma_semaphore, #tpu.memory_space<semaphore_mem>>) src(%dma_wait3A_158 : memref<100001x1024xf32, #tpu.memory_space<hbm>>) dst(%arg6 : memref<32x1024xf32, #tpu.memory_space<vmem>>)
      %mul3A_159 = arith.constant 32 : i32
      %mul3A_160 = arith.muli %add3A_152, %mul3A_159 : i32
      %add3A_161 = arith.addi %mul3A_2, %mul3A_160 : i32
      %dma_start3A_162 = arith.constant 0 : i32
      %dma_start3A_163 = tpu.memref_slice %arg4[%add3A_161, %dma_start3A_162] : memref<32768x1024xf32, #tpu.memory_space<hbm>> -> memref<32x1024xf32, #tpu.memory_space<hbm>>
      %dma_start3A_164 = arith.constant 0 : i32
      %dma_start3A_165 = tpu.memref_slice %arg4[%add3A_161, %dma_start3A_164] : memref<32768x1024xf32, #tpu.memory_space<hbm>> -> memref<32x1024xf32, #tpu.memory_space<hbm>>
      tpu.enqueue_dma source(%arg6 : memref<32x1024xf32, #tpu.memory_space<vmem>>) target(%dma_start3A_165 : memref<32x1024xf32, #tpu.memory_space<hbm>>) target_semaphore(%arg13 : memref<!tpu.dma_semaphore, #tpu.memory_space<semaphore_mem>>)
      %add3A_166 = arith.constant 2 : i32
      %add3A_167 = arith.addi %add3A_152, %add3A_166 : i32
      %sub3A_168 = arith.constant 1 : i32
      %sub3A_169 = arith.subi %add3A_152, %sub3A_168 : i32
      %dma_wait3A_170 = arith.constant 0 : i32
      %dma_wait3A_171 = arith.constant 0 : i32
      %dma_wait3A_172 = tpu.memref_slice %arg8[%dma_wait3A_170, %dma_wait3A_171] : memref<32x1024xf32, #tpu.memory_space<vmem>> -> memref<16x1024xf32, #tpu.memory_space<vmem>>
      %dma_wait3A_173 = arith.constant 0 : i32
      %dma_wait3A_174 = arith.constant 0 : i32
      %dma_wait3A_175 = tpu.memref_slice %arg9[%arg1, %dma_wait3A_173, %dma_wait3A_174] : memref<16x16x1024xf32, #tpu.memory_space<vmem_shared>> -> memref<1x16x1024xf32, #tpu.memory_space<vmem_shared>>
      %dma_wait3A_176 = tpu.memref_squeeze %dma_wait3A_175 : memref<1x16x1024xf32, #tpu.memory_space<vmem_shared>> -> memref<16x1024xf32, #tpu.memory_space<vmem_shared>>
      %dma_wait3A_177 = arith.constant 0 : i32
      %dma_wait3A_178 = arith.constant 0 : i32
      %dma_wait3A_179 = tpu.memref_slice %arg9[%arg1, %dma_wait3A_177, %dma_wait3A_178] : memref<16x16x1024xf32, #tpu.memory_space<vmem_shared>> -> memref<1x16x1024xf32, #tpu.memory_space<vmem_shared>>
      %dma_wait3A_180 = tpu.memref_squeeze %dma_wait3A_179 : memref<1x16x1024xf32, #tpu.memory_space<vmem_shared>> -> memref<16x1024xf32, #tpu.memory_space<vmem_shared>>
      %dma_wait3A_181 = arith.constant 0 : i32
      %dma_wait3A_182 = arith.constant 0 : i32
      %dma_wait3A_183 = tpu.memref_slice %arg8[%dma_wait3A_181, %dma_wait3A_182] : memref<32x1024xf32, #tpu.memory_space<vmem>> -> memref<16x1024xf32, #tpu.memory_space<vmem>>
      tpu.wait_dma2 semaphore(%arg16 : memref<!tpu.dma_semaphore, #tpu.memory_space<semaphore_mem>>) src(%dma_wait3A_183 : memref<16x1024xf32, #tpu.memory_space<vmem>>) dst(%dma_wait3A_180 : memref<16x1024xf32, #tpu.memory_space<vmem_shared>>)
      %mul3A_184 = arith.constant 32 : i32
      %mul3A_185 = arith.muli %sub3A_169, %mul3A_184 : i32
      %add3A_186 = arith.addi %mul3A_2, %mul3A_185 : i32
      %add3A_187 = arith.constant 16 : i32
      %add3A_188 = arith.addi %add3A_186, %add3A_187 : i32
      %dma_wait3A_189 = arith.constant 16 : i32
      %dma_wait3A_190 = arith.constant 0 : i32
      %dma_wait3A_191 = tpu.memref_slice %arg8[%dma_wait3A_189, %dma_wait3A_190] : memref<32x1024xf32, #tpu.memory_space<vmem>> -> memref<16x1024xf32, #tpu.memory_space<vmem>>
      %dma_wait3A_192 = arith.constant 0 : i32
      %dma_wait3A_193 = tpu.memref_slice %arg4[%add3A_188, %dma_wait3A_192] : memref<32768x1024xf32, #tpu.memory_space<hbm>> -> memref<16x1024xf32, #tpu.memory_space<hbm>>
      %dma_wait3A_194 = arith.constant 0 : i32
      %dma_wait3A_195 = tpu.memref_slice %arg4[%add3A_188, %dma_wait3A_194] : memref<32768x1024xf32, #tpu.memory_space<hbm>> -> memref<16x1024xf32, #tpu.memory_space<hbm>>
      %dma_wait3A_196 = arith.constant 16 : i32
      %dma_wait3A_197 = arith.constant 0 : i32
      %dma_wait3A_198 = tpu.memref_slice %arg8[%dma_wait3A_196, %dma_wait3A_197] : memref<32x1024xf32, #tpu.memory_space<vmem>> -> memref<16x1024xf32, #tpu.memory_space<vmem>>
      tpu.wait_dma2 semaphore(%arg15 : memref<!tpu.dma_semaphore, #tpu.memory_space<semaphore_mem>>) src(%dma_wait3A_198 : memref<16x1024xf32, #tpu.memory_space<vmem>>) dst(%dma_wait3A_195 : memref<16x1024xf32, #tpu.memory_space<hbm>>)
      %mul3A_199 = arith.constant 32 : i32
      %mul3A_200 = arith.muli %sub3A_169, %mul3A_199 : i32
      %add3A_201 = arith.addi %mul3A_2, %mul3A_200 : i32
      %dma_start3A_202 = arith.constant 0 : i32
      %dma_start3A_203 = tpu.memref_slice %arg4[%add3A_201, %dma_start3A_202] : memref<32768x1024xf32, #tpu.memory_space<hbm>> -> memref<16x1024xf32, #tpu.memory_space<hbm>>
      %dma_start3A_204 = arith.constant 0 : i32
      %dma_start3A_205 = arith.constant 0 : i32
      %dma_start3A_206 = tpu.memref_slice %arg9[%arg1, %dma_start3A_204, %dma_start3A_205] : memref<16x16x1024xf32, #tpu.memory_space<vmem_shared>> -> memref<1x16x1024xf32, #tpu.memory_space<vmem_shared>>
      %dma_start3A_207 = tpu.memref_squeeze %dma_start3A_206 : memref<1x16x1024xf32, #tpu.memory_space<vmem_shared>> -> memref<16x1024xf32, #tpu.memory_space<vmem_shared>>
      tpu.enqueue_dma source(%dma_start3A_207 : memref<16x1024xf32, #tpu.memory_space<vmem_shared>>) target(%dma_start3A_203 : memref<16x1024xf32, #tpu.memory_space<hbm>>) target_semaphore(%arg17 : memref<!tpu.dma_semaphore, #tpu.memory_space<semaphore_mem>>)
      %lt3A_208 = arith.constant 32 : i32
      %lt3A_209 = arith.cmpi slt, %add3A_167, %lt3A_208 : i32
      %convert_element_type3A_210 = arith.extui %lt3A_209 : i1 to i32
      %cond3A_211 = arith.constant 0 : i32
      %cond3A_212 = arith.cmpi ne, %convert_element_type3A_210, %cond3A_211 : i32
      scf.if %cond3A_212 {
        %mul3A_213 = arith.constant 32 : i32
        %mul3A_214 = arith.muli %add3A_167, %mul3A_213 : i32
        %dma_start3A_215 = tpu.memref_slice %arg5[%mul3A_214] : memref<1024xi32, #tpu.memory_space<vmem>> -> memref<32xi32, #tpu.memory_space<vmem>>
        %dma_start3A_216 = arith.constant 0 : i32
        %dma_start3A_217 = arith.constant 0 : i32
        %dma_start3A_218 = tpu.memref_slice %arg3[%dma_start3A_216, %dma_start3A_217] : memref<100001x1024xf32, #tpu.memory_space<hbm>> -> memref<100001x1024xf32, #tpu.memory_space<hbm>>
        tpu.enqueue_indirect_dma source(%dma_start3A_218 : memref<100001x1024xf32, #tpu.memory_space<hbm>>) target(%arg8 : memref<32x1024xf32, #tpu.memory_space<vmem>>) offsets(%dma_start3A_215 : memref<32xi32, #tpu.memory_space<vmem>>) semaphore(%arg12 : memref<!tpu.dma_semaphore, #tpu.memory_space<semaphore_mem>>)
      } else {
      }
    }
    %scan3A_30 = arith.constant 10 : i32
    %dma_wait3A_31 = arith.constant 992 : i32
    %dma_wait3A_32 = tpu.memref_slice %arg5[%dma_wait3A_31] : memref<1024xi32, #tpu.memory_space<vmem>> -> memref<32xi32, #tpu.memory_space<vmem>>
    %dma_wait3A_33 = arith.constant 0 : i32
    %dma_wait3A_34 = arith.constant 0 : i32
    %dma_wait3A_35 = tpu.memref_slice %arg3[%dma_wait3A_33, %dma_wait3A_34] : memref<100001x1024xf32, #tpu.memory_space<hbm>> -> memref<100001x1024xf32, #tpu.memory_space<hbm>>
    tpu.wait_indirect_dma semaphore(%arg11 : memref<!tpu.dma_semaphore, #tpu.memory_space<semaphore_mem>>) src(%dma_wait3A_35 : memref<100001x1024xf32, #tpu.memory_space<hbm>>) dst(%arg7 : memref<32x1024xf32, #tpu.memory_space<vmem>>)
    %add3A_36 = arith.constant 992 : i32
    %add3A_37 = arith.addi %mul3A_2, %add3A_36 : i32
    %dma_start3A_38 = arith.constant 0 : i32
    %dma_start3A_39 = tpu.memref_slice %arg4[%add3A_37, %dma_start3A_38] : memref<32768x1024xf32, #tpu.memory_space<hbm>> -> memref<32x1024xf32, #tpu.memory_space<hbm>>
    %dma_start3A_40 = arith.constant 0 : i32
    %dma_start3A_41 = tpu.memref_slice %arg4[%add3A_37, %dma_start3A_40] : memref<32768x1024xf32, #tpu.memory_space<hbm>> -> memref<32x1024xf32, #tpu.memory_space<hbm>>
    tpu.enqueue_dma source(%arg7 : memref<32x1024xf32, #tpu.memory_space<vmem>>) target(%dma_start3A_41 : memref<32x1024xf32, #tpu.memory_space<hbm>>) target_semaphore(%arg14 : memref<!tpu.dma_semaphore, #tpu.memory_space<semaphore_mem>>)
    %add3A_42 = arith.constant 960 : i32
    %add3A_43 = arith.addi %mul3A_2, %add3A_42 : i32
    %dma_wait3A_44 = arith.constant 0 : i32
    %dma_wait3A_45 = tpu.memref_slice %arg4[%add3A_43, %dma_wait3A_44] : memref<32768x1024xf32, #tpu.memory_space<hbm>> -> memref<32x1024xf32, #tpu.memory_space<hbm>>
    %dma_wait3A_46 = arith.constant 0 : i32
    %dma_wait3A_47 = tpu.memref_slice %arg4[%add3A_43, %dma_wait3A_46] : memref<32768x1024xf32, #tpu.memory_space<hbm>> -> memref<32x1024xf32, #tpu.memory_space<hbm>>
    tpu.wait_dma2 semaphore(%arg13 : memref<!tpu.dma_semaphore, #tpu.memory_space<semaphore_mem>>) src(%arg6 : memref<32x1024xf32, #tpu.memory_space<vmem>>) dst(%dma_wait3A_47 : memref<32x1024xf32, #tpu.memory_space<hbm>>)
    %add3A_48 = arith.constant 992 : i32
    %add3A_49 = arith.addi %mul3A_2, %add3A_48 : i32
    %dma_wait3A_50 = arith.constant 0 : i32
    %dma_wait3A_51 = tpu.memref_slice %arg4[%add3A_49, %dma_wait3A_50] : memref<32768x1024xf32, #tpu.memory_space<hbm>> -> memref<32x1024xf32, #tpu.memory_space<hbm>>
    %dma_wait3A_52 = arith.constant 0 : i32
    %dma_wait3A_53 = tpu.memref_slice %arg4[%add3A_49, %dma_wait3A_52] : memref<32768x1024xf32, #tpu.memory_space<hbm>> -> memref<32x1024xf32, #tpu.memory_space<hbm>>
    tpu.wait_dma2 semaphore(%arg14 : memref<!tpu.dma_semaphore, #tpu.memory_space<semaphore_mem>>) src(%arg7 : memref<32x1024xf32, #tpu.memory_space<vmem>>) dst(%dma_wait3A_53 : memref<32x1024xf32, #tpu.memory_space<hbm>>)
    %add3A_54 = arith.constant 928 : i32
    %add3A_55 = arith.addi %mul3A_2, %add3A_54 : i32
    %dma_wait3A_56 = arith.constant 0 : i32
    %dma_wait3A_57 = tpu.memref_slice %arg4[%add3A_55, %dma_wait3A_56] : memref<32768x1024xf32, #tpu.memory_space<hbm>> -> memref<16x1024xf32, #tpu.memory_space<hbm>>
    %dma_wait3A_58 = arith.constant 0 : i32
    %dma_wait3A_59 = arith.constant 0 : i32
    %dma_wait3A_60 = tpu.memref_slice %arg9[%arg1, %dma_wait3A_58, %dma_wait3A_59] : memref<16x16x1024xf32, #tpu.memory_space<vmem_shared>> -> memref<1x16x1024xf32, #tpu.memory_space<vmem_shared>>
    %dma_wait3A_61 = tpu.memref_squeeze %dma_wait3A_60 : memref<1x16x1024xf32, #tpu.memory_space<vmem_shared>> -> memref<16x1024xf32, #tpu.memory_space<vmem_shared>>
    tpu.wait_dma2 semaphore(%arg17 : memref<!tpu.dma_semaphore, #tpu.memory_space<semaphore_mem>>) src(%dma_wait3A_61 : memref<16x1024xf32, #tpu.memory_space<vmem_shared>>) dst(%dma_wait3A_57 : memref<16x1024xf32, #tpu.memory_space<hbm>>)
    return
  }
}

#map = affine_map<(d0, d1) -> (0, 0, 0)>
#map1 = affine_map<(d0, d1) -> (0, 0)>
module attributes {stable_mosaic.version = 14 : i64} {
  func.func @new_body(%arg0: i32, %arg1: i32, %arg2: memref<32x2x16xi32, #tpu.memory_space<hbm>>, %arg3: memref<32x2x16xi32, #tpu.memory_space<hbm>>, %arg4: memref<1024x1024xf32, #tpu.memory_space<hbm>>, %arg5: memref<32768x1024xf32, #tpu.memory_space<hbm>>, %arg6: memref<32768x1024xf32, #tpu.memory_space<hbm>>, %arg7: memref<2x16xi32, #tpu.memory_space<vmem>>, %arg8: memref<2x16xi32, #tpu.memory_space<vmem>>, %arg9: memref<16x1024xf32, #tpu.memory_space<vmem>>, %arg10: memref<16x1024xf32, #tpu.memory_space<vmem>>, %arg11: memref<!tpu.dma_semaphore, #tpu.memory_space<semaphore_mem>>, %arg12: memref<!tpu.dma_semaphore, #tpu.memory_space<semaphore_mem>>) attributes {dimension_semantics = [#tpu.dimension_semantics<core_parallel>, #tpu.dimension_semantics<subcore_parallel>], iteration_bounds = array<i64: 2, 16>, scalar_prefetch = 0 : i64, scratch_operands = 6 : i64, tpu.core_type = #tpu.core_type<sc_vector_subcore>, window_params = [{transform_indices = #map}, {transform_indices = #map}, {transform_indices = #map1}, {transform_indices = #map1}, {transform_indices = #map1}]} {
    %mul3A = arith.constant 2 : i32
    %mul3A_0 = arith.muli %arg1, %mul3A : i32
    %add3A = arith.addi %mul3A_0, %arg0 : i32
    "tpu.region"() ({
      %run_scoped3A = tpu.sem_alloc : memref<!tpu.dma_semaphore, #tpu.memory_space<semaphore_mem>>
      %dma_start3A_55 = arith.constant 0 : i32
      %dma_start3A_56 = arith.constant 0 : i32
      %dma_start3A_57 = tpu.memref_slice %arg2[%add3A, %dma_start3A_55, %dma_start3A_56] : memref<32x2x16xi32, #tpu.memory_space<hbm>> -> memref<1x2x16xi32, #tpu.memory_space<hbm>>
      %dma_start3A_58 = tpu.memref_squeeze %dma_start3A_57 : memref<1x2x16xi32, #tpu.memory_space<hbm>> -> memref<2x16xi32, #tpu.memory_space<hbm>>
      %dma_start3A_59 = arith.constant 0 : i32
      %dma_start3A_60 = arith.constant 0 : i32
      %dma_start3A_61 = tpu.memref_slice %arg2[%add3A, %dma_start3A_59, %dma_start3A_60] : memref<32x2x16xi32, #tpu.memory_space<hbm>> -> memref<1x2x16xi32, #tpu.memory_space<hbm>>
      %dma_start3A_62 = tpu.memref_squeeze %dma_start3A_61 : memref<1x2x16xi32, #tpu.memory_space<hbm>> -> memref<2x16xi32, #tpu.memory_space<hbm>>
      tpu.enqueue_dma source(%dma_start3A_62 : memref<2x16xi32, #tpu.memory_space<hbm>>) target(%arg7 : memref<2x16xi32, #tpu.memory_space<vmem>>) target_semaphore(%run_scoped3A : memref<!tpu.dma_semaphore, #tpu.memory_space<semaphore_mem>>)
      %dma_wait3A_63 = arith.constant 0 : i32
      %dma_wait3A_64 = arith.constant 0 : i32
      %dma_wait3A_65 = tpu.memref_slice %arg2[%add3A, %dma_wait3A_63, %dma_wait3A_64] : memref<32x2x16xi32, #tpu.memory_space<hbm>> -> memref<1x2x16xi32, #tpu.memory_space<hbm>>
      %dma_wait3A_66 = tpu.memref_squeeze %dma_wait3A_65 : memref<1x2x16xi32, #tpu.memory_space<hbm>> -> memref<2x16xi32, #tpu.memory_space<hbm>>
      %dma_wait3A_67 = arith.constant 0 : i32
      %dma_wait3A_68 = arith.constant 0 : i32
      %dma_wait3A_69 = tpu.memref_slice %arg2[%add3A, %dma_wait3A_67, %dma_wait3A_68] : memref<32x2x16xi32, #tpu.memory_space<hbm>> -> memref<1x2x16xi32, #tpu.memory_space<hbm>>
      %dma_wait3A_70 = tpu.memref_squeeze %dma_wait3A_69 : memref<1x2x16xi32, #tpu.memory_space<hbm>> -> memref<2x16xi32, #tpu.memory_space<hbm>>
      tpu.wait_dma2 semaphore(%run_scoped3A : memref<!tpu.dma_semaphore, #tpu.memory_space<semaphore_mem>>) src(%dma_wait3A_70 : memref<2x16xi32, #tpu.memory_space<hbm>>) dst(%arg7 : memref<2x16xi32, #tpu.memory_space<vmem>>)
      tpu.yield
    }) : () -> ()
    "tpu.region"() ({
      %run_scoped3A = tpu.sem_alloc : memref<!tpu.dma_semaphore, #tpu.memory_space<semaphore_mem>>
      %dma_start3A_55 = arith.constant 0 : i32
      %dma_start3A_56 = arith.constant 0 : i32
      %dma_start3A_57 = tpu.memref_slice %arg3[%add3A, %dma_start3A_55, %dma_start3A_56] : memref<32x2x16xi32, #tpu.memory_space<hbm>> -> memref<1x2x16xi32, #tpu.memory_space<hbm>>
      %dma_start3A_58 = tpu.memref_squeeze %dma_start3A_57 : memref<1x2x16xi32, #tpu.memory_space<hbm>> -> memref<2x16xi32, #tpu.memory_space<hbm>>
      %dma_start3A_59 = arith.constant 0 : i32
      %dma_start3A_60 = arith.constant 0 : i32
      %dma_start3A_61 = tpu.memref_slice %arg3[%add3A, %dma_start3A_59, %dma_start3A_60] : memref<32x2x16xi32, #tpu.memory_space<hbm>> -> memref<1x2x16xi32, #tpu.memory_space<hbm>>
      %dma_start3A_62 = tpu.memref_squeeze %dma_start3A_61 : memref<1x2x16xi32, #tpu.memory_space<hbm>> -> memref<2x16xi32, #tpu.memory_space<hbm>>
      tpu.enqueue_dma source(%dma_start3A_62 : memref<2x16xi32, #tpu.memory_space<hbm>>) target(%arg8 : memref<2x16xi32, #tpu.memory_space<vmem>>) target_semaphore(%run_scoped3A : memref<!tpu.dma_semaphore, #tpu.memory_space<semaphore_mem>>)
      %dma_wait3A_63 = arith.constant 0 : i32
      %dma_wait3A_64 = arith.constant 0 : i32
      %dma_wait3A_65 = tpu.memref_slice %arg3[%add3A, %dma_wait3A_63, %dma_wait3A_64] : memref<32x2x16xi32, #tpu.memory_space<hbm>> -> memref<1x2x16xi32, #tpu.memory_space<hbm>>
      %dma_wait3A_66 = tpu.memref_squeeze %dma_wait3A_65 : memref<1x2x16xi32, #tpu.memory_space<hbm>> -> memref<2x16xi32, #tpu.memory_space<hbm>>
      %dma_wait3A_67 = arith.constant 0 : i32
      %dma_wait3A_68 = arith.constant 0 : i32
      %dma_wait3A_69 = tpu.memref_slice %arg3[%add3A, %dma_wait3A_67, %dma_wait3A_68] : memref<32x2x16xi32, #tpu.memory_space<hbm>> -> memref<1x2x16xi32, #tpu.memory_space<hbm>>
      %dma_wait3A_70 = tpu.memref_squeeze %dma_wait3A_69 : memref<1x2x16xi32, #tpu.memory_space<hbm>> -> memref<2x16xi32, #tpu.memory_space<hbm>>
      tpu.wait_dma2 semaphore(%run_scoped3A : memref<!tpu.dma_semaphore, #tpu.memory_space<semaphore_mem>>) src(%dma_wait3A_70 : memref<2x16xi32, #tpu.memory_space<hbm>>) dst(%arg8 : memref<2x16xi32, #tpu.memory_space<vmem>>)
      tpu.yield
    }) : () -> ()
    %dma_start3A = arith.constant 0 : i32
    %dma_start3A_1 = arith.constant 0 : i32
    %dma_start3A_2 = tpu.memref_slice %arg8[%dma_start3A, %dma_start3A_1] : memref<2x16xi32, #tpu.memory_space<vmem>> -> memref<1x16xi32, #tpu.memory_space<vmem>>
    %dma_start3A_3 = tpu.memref_squeeze %dma_start3A_2 : memref<1x16xi32, #tpu.memory_space<vmem>> -> memref<16xi32, #tpu.memory_space<vmem>>
    %dma_start3A_4 = arith.constant 0 : i32
    %dma_start3A_5 = arith.constant 0 : i32
    %dma_start3A_6 = tpu.memref_slice %arg4[%dma_start3A_4, %dma_start3A_5] : memref<1024x1024xf32, #tpu.memory_space<hbm>> -> memref<1024x1024xf32, #tpu.memory_space<hbm>>
    tpu.enqueue_indirect_dma source(%dma_start3A_6 : memref<1024x1024xf32, #tpu.memory_space<hbm>>) target(%arg9 : memref<16x1024xf32, #tpu.memory_space<vmem>>) offsets(%dma_start3A_3 : memref<16xi32, #tpu.memory_space<vmem>>) semaphore(%arg11 : memref<!tpu.dma_semaphore, #tpu.memory_space<semaphore_mem>>)
    %dma_start3A_7 = arith.constant 1 : i32
    %dma_start3A_8 = arith.constant 0 : i32
    %dma_start3A_9 = tpu.memref_slice %arg8[%dma_start3A_7, %dma_start3A_8] : memref<2x16xi32, #tpu.memory_space<vmem>> -> memref<1x16xi32, #tpu.memory_space<vmem>>
    %dma_start3A_10 = tpu.memref_squeeze %dma_start3A_9 : memref<1x16xi32, #tpu.memory_space<vmem>> -> memref<16xi32, #tpu.memory_space<vmem>>
    %dma_start3A_11 = arith.constant 0 : i32
    %dma_start3A_12 = arith.constant 0 : i32
    %dma_start3A_13 = tpu.memref_slice %arg4[%dma_start3A_11, %dma_start3A_12] : memref<1024x1024xf32, #tpu.memory_space<hbm>> -> memref<1024x1024xf32, #tpu.memory_space<hbm>>
    tpu.enqueue_indirect_dma source(%dma_start3A_13 : memref<1024x1024xf32, #tpu.memory_space<hbm>>) target(%arg10 : memref<16x1024xf32, #tpu.memory_space<vmem>>) offsets(%dma_start3A_10 : memref<16xi32, #tpu.memory_space<vmem>>) semaphore(%arg12 : memref<!tpu.dma_semaphore, #tpu.memory_space<semaphore_mem>>)
    %dma_wait3A = arith.constant 0 : i32
    %dma_wait3A_14 = arith.constant 0 : i32
    %dma_wait3A_15 = tpu.memref_slice %arg8[%dma_wait3A, %dma_wait3A_14] : memref<2x16xi32, #tpu.memory_space<vmem>> -> memref<1x16xi32, #tpu.memory_space<vmem>>
    %dma_wait3A_16 = tpu.memref_squeeze %dma_wait3A_15 : memref<1x16xi32, #tpu.memory_space<vmem>> -> memref<16xi32, #tpu.memory_space<vmem>>
    %dma_wait3A_17 = arith.constant 0 : i32
    %dma_wait3A_18 = arith.constant 0 : i32
    %dma_wait3A_19 = tpu.memref_slice %arg4[%dma_wait3A_17, %dma_wait3A_18] : memref<1024x1024xf32, #tpu.memory_space<hbm>> -> memref<1024x1024xf32, #tpu.memory_space<hbm>>
    tpu.wait_indirect_dma semaphore(%arg11 : memref<!tpu.dma_semaphore, #tpu.memory_space<semaphore_mem>>) src(%dma_wait3A_19 : memref<1024x1024xf32, #tpu.memory_space<hbm>>) dst(%arg9 : memref<16x1024xf32, #tpu.memory_space<vmem>>)
    %dma_start3A_20 = arith.constant 0 : i32
    %dma_start3A_21 = arith.constant 0 : i32
    %dma_start3A_22 = tpu.memref_slice %arg7[%dma_start3A_20, %dma_start3A_21] : memref<2x16xi32, #tpu.memory_space<vmem>> -> memref<1x16xi32, #tpu.memory_space<vmem>>
    %dma_start3A_23 = tpu.memref_squeeze %dma_start3A_22 : memref<1x16xi32, #tpu.memory_space<vmem>> -> memref<16xi32, #tpu.memory_space<vmem>>
    %dma_start3A_24 = arith.constant 0 : i32
    %dma_start3A_25 = arith.constant 0 : i32
    %dma_start3A_26 = tpu.memref_slice %arg5[%dma_start3A_24, %dma_start3A_25] : memref<32768x1024xf32, #tpu.memory_space<hbm>> -> memref<32768x1024xf32, #tpu.memory_space<hbm>>
    tpu.enqueue_indirect_dma source(%arg9 : memref<16x1024xf32, #tpu.memory_space<vmem>>) target(%dma_start3A_26 : memref<32768x1024xf32, #tpu.memory_space<hbm>>) offsets(%dma_start3A_23 : memref<16xi32, #tpu.memory_space<vmem>>) semaphore(%arg11 : memref<!tpu.dma_semaphore, #tpu.memory_space<semaphore_mem>>)
    %dma_wait3A_27 = arith.constant 1 : i32
    %dma_wait3A_28 = arith.constant 0 : i32
    %dma_wait3A_29 = tpu.memref_slice %arg8[%dma_wait3A_27, %dma_wait3A_28] : memref<2x16xi32, #tpu.memory_space<vmem>> -> memref<1x16xi32, #tpu.memory_space<vmem>>
    %dma_wait3A_30 = tpu.memref_squeeze %dma_wait3A_29 : memref<1x16xi32, #tpu.memory_space<vmem>> -> memref<16xi32, #tpu.memory_space<vmem>>
    %dma_wait3A_31 = arith.constant 0 : i32
    %dma_wait3A_32 = arith.constant 0 : i32
    %dma_wait3A_33 = tpu.memref_slice %arg4[%dma_wait3A_31, %dma_wait3A_32] : memref<1024x1024xf32, #tpu.memory_space<hbm>> -> memref<1024x1024xf32, #tpu.memory_space<hbm>>
    tpu.wait_indirect_dma semaphore(%arg12 : memref<!tpu.dma_semaphore, #tpu.memory_space<semaphore_mem>>) src(%dma_wait3A_33 : memref<1024x1024xf32, #tpu.memory_space<hbm>>) dst(%arg10 : memref<16x1024xf32, #tpu.memory_space<vmem>>)
    %dma_start3A_34 = arith.constant 1 : i32
    %dma_start3A_35 = arith.constant 0 : i32
    %dma_start3A_36 = tpu.memref_slice %arg7[%dma_start3A_34, %dma_start3A_35] : memref<2x16xi32, #tpu.memory_space<vmem>> -> memref<1x16xi32, #tpu.memory_space<vmem>>
    %dma_start3A_37 = tpu.memref_squeeze %dma_start3A_36 : memref<1x16xi32, #tpu.memory_space<vmem>> -> memref<16xi32, #tpu.memory_space<vmem>>
    %dma_start3A_38 = arith.constant 0 : i32
    %dma_start3A_39 = arith.constant 0 : i32
    %dma_start3A_40 = tpu.memref_slice %arg5[%dma_start3A_38, %dma_start3A_39] : memref<32768x1024xf32, #tpu.memory_space<hbm>> -> memref<32768x1024xf32, #tpu.memory_space<hbm>>
    tpu.enqueue_indirect_dma source(%arg10 : memref<16x1024xf32, #tpu.memory_space<vmem>>) target(%dma_start3A_40 : memref<32768x1024xf32, #tpu.memory_space<hbm>>) offsets(%dma_start3A_37 : memref<16xi32, #tpu.memory_space<vmem>>) semaphore(%arg12 : memref<!tpu.dma_semaphore, #tpu.memory_space<semaphore_mem>>)
    %dma_wait3A_41 = arith.constant 0 : i32
    %dma_wait3A_42 = arith.constant 0 : i32
    %dma_wait3A_43 = tpu.memref_slice %arg7[%dma_wait3A_41, %dma_wait3A_42] : memref<2x16xi32, #tpu.memory_space<vmem>> -> memref<1x16xi32, #tpu.memory_space<vmem>>
    %dma_wait3A_44 = tpu.memref_squeeze %dma_wait3A_43 : memref<1x16xi32, #tpu.memory_space<vmem>> -> memref<16xi32, #tpu.memory_space<vmem>>
    %dma_wait3A_45 = arith.constant 0 : i32
    %dma_wait3A_46 = arith.constant 0 : i32
    %dma_wait3A_47 = tpu.memref_slice %arg5[%dma_wait3A_45, %dma_wait3A_46] : memref<32768x1024xf32, #tpu.memory_space<hbm>> -> memref<32768x1024xf32, #tpu.memory_space<hbm>>
    tpu.wait_indirect_dma semaphore(%arg11 : memref<!tpu.dma_semaphore, #tpu.memory_space<semaphore_mem>>) src(%arg9 : memref<16x1024xf32, #tpu.memory_space<vmem>>) dst(%dma_wait3A_47 : memref<32768x1024xf32, #tpu.memory_space<hbm>>)
    %dma_wait3A_48 = arith.constant 1 : i32
    %dma_wait3A_49 = arith.constant 0 : i32
    %dma_wait3A_50 = tpu.memref_slice %arg7[%dma_wait3A_48, %dma_wait3A_49] : memref<2x16xi32, #tpu.memory_space<vmem>> -> memref<1x16xi32, #tpu.memory_space<vmem>>
    %dma_wait3A_51 = tpu.memref_squeeze %dma_wait3A_50 : memref<1x16xi32, #tpu.memory_space<vmem>> -> memref<16xi32, #tpu.memory_space<vmem>>
    %dma_wait3A_52 = arith.constant 0 : i32
    %dma_wait3A_53 = arith.constant 0 : i32
    %dma_wait3A_54 = tpu.memref_slice %arg5[%dma_wait3A_52, %dma_wait3A_53] : memref<32768x1024xf32, #tpu.memory_space<hbm>> -> memref<32768x1024xf32, #tpu.memory_space<hbm>>
    tpu.wait_indirect_dma semaphore(%arg12 : memref<!tpu.dma_semaphore, #tpu.memory_space<semaphore_mem>>) src(%arg10 : memref<16x1024xf32, #tpu.memory_space<vmem>>) dst(%dma_wait3A_54 : memref<32768x1024xf32, #tpu.memory_space<hbm>>)
    return
  }
}

module attributes {stable_mosaic.version = 14 : i64} {
  func.func @_mm_body(%arg0: memref<1024x1024xf32, #tpu.memory_space<vmem>>, %arg1: memref<1024x1024xf32, #tpu.memory_space<vmem>>, %arg2: memref<1x1024xf32, #tpu.memory_space<vmem>>, %arg3: memref<1024x1024xf32, #tpu.memory_space<vmem>>) attributes {dimension_semantics = [], scalar_prefetch = 0 : i64, scratch_operands = 0 : i64, tpu.core_type = #tpu.core_type<tc>} {
    %get3A = arith.constant 0 : index
    %get3A_0 = arith.constant 0 : index
    %get3A_1 = vector.load %arg0[%get3A, %get3A_0] : memref<1024x1024xf32, #tpu.memory_space<vmem>>, vector<1024x1024xf32>
    %get3A_2 = arith.constant 0 : index
    %get3A_3 = arith.constant 0 : index
    %get3A_4 = vector.load %arg1[%get3A_2, %get3A_3] : memref<1024x1024xf32, #tpu.memory_space<vmem>>, vector<1024x1024xf32>
    %dot_general3A = arith.constant dense<0.000000e+00> : vector<1024x1024xf32>
    %dot_general3A_5 = tpu.matmul %get3A_1, %get3A_4, %dot_general3A {dimension_numbers = #tpu.dot_dimension_numbers<[1], [0], [0], [1], [0, 0, 1, 1], [], []>, transpose_lhs_hint = false} : vector<1024x1024xf32>, vector<1024x1024xf32>, vector<1024x1024xf32> -> vector<1024x1024xf32>
    %get3A_6 = arith.constant 0 : index
    %get3A_7 = arith.constant 0 : index
    %get3A_8 = vector.load %arg2[%get3A_6, %get3A_7] : memref<1x1024xf32, #tpu.memory_space<vmem>>, vector<1x1024xf32>
    %add3A = vector.broadcast %get3A_8 : vector<1x1024xf32> to vector<1024x1024xf32>
    %add3A_9 = arith.addf %dot_general3A_5, %add3A : vector<1024x1024xf32>
    %swap3A = arith.constant 0 : index
    %swap3A_10 = arith.constant 0 : index
    %swap3A_11 = vector.load %arg3[%swap3A, %swap3A_10] : memref<1024x1024xf32, #tpu.memory_space<vmem>>, vector<1024x1024xf32>
    tpu.vector_store %arg3[%swap3A, %swap3A_10], %add3A_9 {strides = array<i32>} : memref<1024x1024xf32, #tpu.memory_space<vmem>>, vector<1024x1024xf32>,
    return
  }
}

</mosaic_0001>

<sc_bundles>
// kernel: kernel.5.cloned.1.call-start
scs
__scs_entry_jumppad:
0x0: {  	(pc) =	sbr.rel $0x88, $3  }
0x1: {  	(tag) =	ssettag $0x0;
	lr =	simm.s32 $0x1  }
0x2: {  	[smem:$0x3F9A] =	sst lr;
	_ =	strace $0xD0000000  }
0x3: {  	_ = 	snop  }
0x4: {  	_ = 	snop  }
0x5: {  	_ = 	snop  }
0x6: {  	_ = 	snop  }
0x7: {  	_ = 	snop  }
__scs_overlays_trampoline_lowered:
0x8: {  	[smem:$0x3FA9] =	sst s0  }
0x9: {  	[smem:$0x3FAA] =	sst s1  }
0xa: {  	[smem:$0x3FAB] =	sst s2  }
0xb: {  	[smem:$0x3FAC] =	sst s3  }
0xc: {  	[smem:$0x3FAD] =	sst s4  }
0xd: {  	[smem:$0x3FAE] =	sst s5  }
0xe: {  	[smem:$0x3FAF] =	sst s6  }
0xf: {  	[smem:$0x3FB0] =	sst s7  }
0x10: {  	[smem:$0x3FB1] =	sst s8  }
0x11: {  	[smem:$0x3FB2] =	sst s9;
	s0 =	simm.s32 @!p0 $0x0  }
0x12: {  	s1 =	sld [smem:$0x3F98];
	s0 =	simm.s32 @p0 $0x1  }
0x13: {  	[smem:$0x3FB3] =	sst s0;
	s0 =	simm.s32 @!p1 $0x0  }
0x14: {  	s2 =	sld [smem:$0x3F97];
	s0 =	simm.s32 @p1 $0x1  }
0x15: {  	[smem:$0x3FB4] =	sst s0;
	s0 =	simm.s32 @!p2 $0x0  }
0x16: {  	s3 =	sld [smem:$0x3FDB];
	s0 =	simm.s32 @p2 $0x1  }
0x17: {  	s4 =	simm.s32 $0x1BF5;
	[smem:$0x3FB6] =	sst s0  }
0x18: {  	s0 =	sld [smem:$0x3F99];
	_ =	swait.ge [sflag:s4], $0x0  }
0x19: {  	s7 =	sld [smem:$0x3F9A]  }
0x1a: {  	s8 =	sadd.s32 $0xFFFFE003, lr  }
0x1b: {  	s9 =	sadd.s32 $0xFFFFFEF7, lr;
	s5 =	simm.s32 $0xFFFFFFFF;
	p2 =	slt.u32 s8, $0xFFFFF086  }
0x1c: {  	p1 =	slt.u32 s9, $0xF7A;
	s5 =	simm.s32 @!p2 $0x0  }
0x1d: {  	s5 =	simm.s32 @p1 $0x1;
	p0 =	seq.s32 s7, s2  }
0x1e: {  	s7 =	smul.u32 @!p0 $0xF7A, s2;
	p2 =	seq.s32 @!p0 s5, $0x0  }
0x1f: {  	s9 =	smul.u32 $0xF7A, s1;
	s8 =	simm.s32 @!p0 $0x1BF5;
	p2 =	por !p2, p0  }
0x20: {  	[sflag:s8] =	ssyncset.s32 @!p0 $0xFFFFF086;
	s6 =	sadd.s32 @!p0 s3, s7;
	s7 =	simm.s32 @!p0 $0x108  }
0x21: {  	s3 =	sadd.s32 s3, s9;
	s6 =	sadd.s32 @!p0 $0x88, s6;
	s7 =	simm.s32 @p2 $0x1082  }
0x22: {  	[simem:s7], [sflag:s8] =	dma.local @!p0 [hbm:s6], $0xF7A  }
0x23: {  	s9 =	sor.u32 $0xD0000000, s2;
	s6 =	simm.s32 $0x108;
	_ =	swait.ge @!p0 [sflag:s8], $0x0  }
0x24: {  	s3 =	sadd.s32 $0x88, s3;
	s6 =	simm.s32 @!p1 $0x1082;
	[sflag:s4] =	ssyncset.s32 $0xFFFFF086  }
0x25: {  	[simem:s6], [sflag:s4] =	dma.local [hbm:s3], $0xF7A  }
0x26: {  	[smem:$0x3F9A] =	sst s1;
	(tag) =	ssettag s2;
	_ =	strace s9  }
0x27: {  	s1 =	sld [smem:$0x3FAA]  }
0x28: {  	s2 =	sld [smem:$0x3FAB]  }
0x29: {  	s4 =	sld [smem:$0x3FAD]  }
0x2a: {  	p0 =	seq.s32 s5, $0x0;
	s5 =	sld [smem:$0x3FAE]  }
0x2b: {  	s6 =	sld [smem:$0x3FAF]  }
0x2c: {  	s7 =	sld [smem:$0x3FB0]  }
0x2d: {  	s3 =	simm.s32 $0x108;
	s8 =	sld [smem:$0x3FB1]  }
0x2e: {  	s3 =	simm.s32 @!p0 $0x1082;
	s9 =	sld [smem:$0x3FB2]  }
0x2f: {  	lr =	sadd.s32 s0, s3;
	s0 =	sld [smem:$0x3FA9]  }
0x30: {  	s3 =	sld [smem:$0x3FAC]  }
0x31: {  	[smem:$0x3FB5] =	sst s10  }
0x32: {  	s10 =	sld [smem:$0x3FB3];
	_ =	sdelay $0x3  }
0x33: {  	p0 =	seq.s32 s10, $0x1;
	s10 =	sld [smem:$0x3FB5];
	_ =	sdelay $0x3  }
0x34: {  	[smem:$0x3FB5] =	sst s10  }
0x35: {  	s10 =	sld [smem:$0x3FB4];
	_ =	sdelay $0x3  }
0x36: {  	p1 =	seq.s32 s10, $0x1;
	s10 =	sld [smem:$0x3FB5];
	_ =	sdelay $0x3  }
0x37: {  	[smem:$0x3FB5] =	sst s10  }
0x38: {  	s10 =	sld [smem:$0x3FB6]  }
0x39: {  	_ = 	snop;
	(pc) =	sbr.ind lr, $3  }
0x3a: {  	_ = 	snop  }
0x3b: {  	_ = 	snop  }
0x3c: {  	p2 =	seq.s32 s10, $0x1;
	s10 =	sld [smem:$0x3FB5]  }
0x3d: {  	_ =	shalt  }
0x3e: {  	_ =	shalt  }
0x3f: {  	_ =	shalt  }
0x40: {  	_ =	shalt  }
0x41: {  	_ =	shalt  }
0x42: {  	_ =	shalt  }
0x43: {  	_ =	shalt  }
0x44: {  	_ =	shalt  }
0x45: {  	_ =	shalt  }
0x46: {  	_ =	shalt  }
0x47: {  	_ =	shalt  }
0x48: {  	_ =	shalt  }
0x49: {  	_ =	shalt  }
0x4a: {  	_ =	shalt  }
0x4b: {  	_ =	shalt  }
0x4c: {  	_ =	shalt  }
0x4d: {  	_ =	shalt  }
0x4e: {  	_ =	shalt  }
0x4f: {  	_ =	shalt  }
0x50: {  	_ =	shalt  }
0x51: {  	_ =	shalt  }
0x52: {  	_ =	shalt  }
0x53: {  	_ =	shalt  }
0x54: {  	_ =	shalt  }
0x55: {  	_ =	shalt  }
0x56: {  	_ =	shalt  }
0x57: {  	_ =	shalt  }
0x58: {  	_ =	shalt  }
0x59: {  	_ =	shalt  }
0x5a: {  	_ =	shalt  }
0x5b: {  	_ =	shalt  }
0x5c: {  	_ =	shalt  }
0x5d: {  	_ =	shalt  }
0x5e: {  	_ =	shalt  }
0x5f: {  	_ =	shalt  }
0x60: {  	_ =	shalt  }
0x61: {  	_ =	shalt  }
0x62: {  	_ =	shalt  }
0x63: {  	_ =	shalt  }
0x64: {  	_ =	shalt  }
0x65: {  	_ =	shalt  }
0x66: {  	_ =	shalt  }
0x67: {  	_ =	shalt  }
0x68: {  	_ =	shalt  }
0x69: {  	_ =	shalt  }
0x6a: {  	_ =	shalt  }
0x6b: {  	_ =	shalt  }
0x6c: {  	_ =	shalt  }
0x6d: {  	_ =	shalt  }
0x6e: {  	_ =	shalt  }
0x6f: {  	_ =	shalt  }
0x70: {  	_ =	shalt  }
0x71: {  	_ =	shalt  }
0x72: {  	_ =	shalt  }
0x73: {  	_ =	shalt  }
0x74: {  	_ =	shalt  }
0x75: {  	_ =	shalt  }
0x76: {  	_ =	shalt  }
0x77: {  	_ =	shalt  }
0x78: {  	_ =	shalt  }
0x79: {  	_ =	shalt  }
0x7a: {  	_ =	shalt  }
0x7b: {  	_ =	shalt  }
0x7c: {  	_ =	shalt  }
0x7d: {  	_ =	shalt  }
0x7e: {  	_ =	shalt  }
0x7f: {  	_ =	shalt  }
0x80: {  	_ =	shalt  }
0x81: {  	_ =	shalt  }
0x82: {  	_ =	shalt  }
0x83: {  	_ =	shalt  }
0x84: {  	_ =	shalt  }
0x85: {  	_ =	shalt  }
0x86: {  	_ =	shalt  }
0x87: {  	_ =	shalt  }
.Lfunc_end0:
.L_simem_size_0:
called_computation_lowered:
.L_overlay_start_0:
0x88: {  	s2 =	sld [smem:$0x3FD9]  }
0x89: {  	s3 =	sld [smem:$0x3FFE];
	_ =	sdelay $0x1  }
0x8a: {  	s1 =	srdreg.scid  }
0x8b: {  	s0 =	sand.u32 $0x1, s1  }
0x8c: {  	s17 =	sshll.u32 s0, $0xA;
	s2 =	sadd.s32 s3, s2  }
0x8d: {  	s2 =	sadd.s32 s2, s17  }
0x8e: {  	[smem:$0x3FC1] =	sst s2  }
0x8f: {  	_ = 	snop  }
0x90: {  	s2 =	sld [smem:$0x3FC5]  }
0x91: {  	s18 =	sld [smem:$0x3FD0];
	(tm) =	ssettm $0x1  }
0x92: {  	s4 =	sld [smem:$0x3FFB];
	_ =	sdelay $0x3  }
0x93: {  	_ =	strace s4  }
0x94: {  	s4 =	sld [smem:$0x3FFC];
	_ =	sdelay $0x3  }
0x95: {  	_ =	strace s4  }
0x96: {  	s4 =	sld [smem:$0x3FFD];
	_ =	sdelay $0x3  }
0x97: {  	_ =	strace s4  }
0x98: {  	_ =	strace $0x8FFFFFFF  }
0x99: {  	s19 =	sld [smem:$0x3FDB];
	_ =	sdelay $0x1  }
0x9a: {  	s5 =	simm.s32 $_scs_section_size  }
0x9b: {  	s6 =	simm.s32 $_size__tile_overlayer_lowered;
	s7 =	simm.s32 $_tile_overlayer_lowered  }
0x9c: {  	s22 =	simm.s32 $0x1BFF;
	s21 =	sshll.u32 s7, $0x1;
	s4 =	sadd.s32 s5, s19  }
0x9d: {  	s8 =	simm.s32 $0x0;
	s20 =	sshll.u32 s6, $0x1;
	s6 =	sadd.s32 s21, s4  }
0x9e: {  	[timem:s8], [sflag:s22] =	dma.local [hbm:s6], s20  }
0x9f: {  	_ =	swait.ge [sflag:s22], s20  }
0xa0: {  	s5 =	ssub.s32 $0x0, s20;
	[sflag:s22] =	ssyncset.done $0x0  }
0xa1: {  	[sflag:s22] =	ssyncadd.s32 s5;
	_ =	sdelay $0x1  }
0xa2: {  	s23 =	simm.s32 $0x1B8B  }
0xa3: {  	_ =	swait.ge [sflag:s23], $0x1  }
0xa4: {  	[sflag:s23] =	ssyncset.done $0x0  }
0xa5: {  	s25 =	simm.s32 $0x1B8E;
	s24 =	sld [smem:$0x3FFE];
	[sflag:s23] =	ssyncadd.s32 $0xFFFFFFFF  }
0xa6: {  	s26 =	simm.s32 $execute0_lowered;
	[smem:$0x3FD2] =	sst s25  }
0xa7: {  	s6 =	sshll.u32 s26, $0x1;
	_ =	strace $0x80000046;
	[dreg:$0x1] =	wrdreg $0xFFFFFFFF  }
0xa8: {  	s28 =	simm.s32 $_size_execute0_lowered;
	s4 =	sadd.s32 s4, s6;
	[dreg:$0x0] =	wrdreg $0x0  }
0xa9: {  	s6 =	sshll.u32 s28, $0x1;
	[dreg:$0x2] =	wrdreg s4  }
0xaa: {  	[dreg:$0x3] =	wrdreg s6  }
0xab: {  	[dreg:$0x4] =	wrdreg $0xC0  }
0xac: {  	_ =	task [dreg:s8], $0x5FFFF  }
0xad: {  	[dreg:$0x1] =	wrdreg $0xFFFFFFFF  }
0xae: {  	[dreg:$0x0] =	wrdreg $0x60  }
0xaf: {  	[dreg:$0x2] =	wrdreg s24  }
0xb0: {  	[dreg:$0x3] =	wrdreg s2  }
0xb1: {  	[dreg:$0x4] =	wrdreg s18  }
0xb2: {  	[dreg:$0x5] =	wrdreg $0x184000  }
0xb3: {  	[dreg:$0x6] =	wrdreg $0x9  }
0xb4: {  	_ =	task.clear_ibuf [dreg:s8], $0x7FFFF;
	_ =	strace $0x90000046  }
0xb5: {  	s29 =	simm.s32 $0x9;
	_ =	strace $0x80000048  }
0xb6: {  	_ =	swait.ge [sflag:s29], $0x1  }
0xb7: {  	[sflag:s29] =	ssyncadd.s32 $0xFFFFFFFF  }
0xb8: {  	_ =	strace $0x90000048  }
0xb9: {  	_ =	sfence  }
0xba: {  	s30 =	sld [smem:$0x0];
	_ =	sdelay $0x2  }
0xbb: {  	s31 =	sshll.u32 s1, $0xD;
	s1 =	sshrl.u32 s1, $0x2  }
0xbc: {  	s3 =	sand.u32 $0x4000, s31;
	s1 =	sadd.s32 s1, s30  }
0xbd: {  	s0 =	sor.u32 s3, s0;
	s1 =	sshll.u32 s1, $0x11  }
0xbe: {  	s0 =	sor.u32 s1, s0  }
0xbf: {  	s0 =	sadd.s32 $0x8F2B, s0  }
0xc0: {  	[sflag:s0] =	ssyncadd.remote.s32 $0x1  }
0xc1: {  	_ =	sfence.sel $0xFFFF  }
0xc2: {  	[dreg:$0x0] =	wrdreg $0xFFFFFFFF;
	(pc) =	sbr.abs _section_cstart, $3  }
0xc3: {  	[dreg:$0x1] =	wrdreg $0xFFFFFFFF  }
0xc4: {  	_ =	task.clear_ibuf [dreg:s8], $0x2FFFF;
	_ =	strace $0x9FFFFFFF  }
0xc5: {  	(tm) =	ssettm $0x7FFFFFFF  }
tec
execute0_lowered:
.L_overlay_start_1:
0x0: {  	(tag) =	ssettag $0x1  }
0x1: {  	s0 =	rddreg [dreg:$0x0]  }
0x2: {  	s1 =	rddreg [dreg:$0x1]  }
0x3: {  	s2 =	rddreg [dreg:$0x2]  }
0x4: {  	s4 =	rddreg [dreg:$0x3];
	s5 =	srdreg.scid  }
0x5: {  	s3 =	simm.s32 $0x0;
	s12 =	stileid.u32;
	s14 =	simm.s32 $0x400  }
0x6: {  	s31 =	simm.s32 $0x8400;
	s13 =	simm.s32 $0x15C00;
	s15 =	simm.s32 $0x17400  }
0x7: {  	s16 =	simm.s32 $0x2;
	s28 =	simm.s32 $0x4;
	s17 =	simm.s32 $0x3  }
0x8: {  	s29 =	simm.s32 $0x5;
	s18 =	simm.s32 $0x7;
	s30 =	simm.s32 $0x6  }
0x9: {  	s19 =	simm.s32 $0x0;
	s8 =	sand.u32 $0x1, s5;
	s6 =	sshll.u32 s12, $0xB  }
0xa: {  	[smem:$0x7FF] =	sst s3;
	s22 =	sshll.u32 s12, $0xE;
	s23 =	sshll.u32 s12, $0x12  }
0xb: {  	s5 =	ssub.s32 $0x2, s8;
	s7 =	sshll.u32 s8, $0xA;
	_ =	strace $0x80000047  }
0xc: {  	s25 =	sshll.u32 s8, $0x11;
	s8 =	simm.s32 $0x15400;
	s9 =	sshrl.u32 s5, $0x1  }
0xd: {  	s10 =	sor.u32 s7, s6;
	s6 =	sadd.s32 $0x200, s1;
	s7 =	sadd.s32 $0x300, s1  }
0xe: {  	s11 =	ssub.s32 s5, s9;
	s20 =	sshrl.u32 s10, $0x3;
	s5 =	sadd.s32 $0x100, s1  }
0xf: {  	s21 =	sshll.u32 s10, $0x7;
	s9 =	sadd.s32 s22, s4;
	s22 =	simm.s32 $0xFC00  }
0x10: {  	s0 =	sadd.s32 s0, s20;
	s10 =	sadd.s32 s2, s21;
	s26 =	smax.u32 s11, $0x1  }
.Ltmp0:
0x11: {  	s11 =	simm.s32 $0x14C00;
	[dreg:$0x5] =	wrdreg s0;
	(pc) =	sbr.rel .LBB2_1-.Ltmp0, $4  }
0x12: {  	[dreg:$0x6] =	wrdreg s10;
	s24 =	sadd.s32 $0x1F000, s10;
	s0 =	sadd.s32 s23, s2  }
0x13: {  	v2 =	vlaneseq.u32;
	[dreg:$0x8] =	wrdreg s26;
	s23 =	simm.s32 $0x1;
	s10 =	simm.s32 $0x14400  }
0x14: {  	vm0 =	vmmov $0xffff;
	v1 =	vshrl.u32 v2, $0x3;
	s2 =	simm.s32 $0x16400;
	s26 =	simm.s32 $0x17C00;
	[dreg:$0x7] =	wrdreg s24  }
0x15: {  	v0 =	vand.u32 $0x7, v2;
	v2 =	vor.u32 $0x8, v2;
	v1 =	vmul.u32 $0x8, v1;
	s12 =	sadd.s32 s25, s0;
	s24 =	simm.s32 $0x10400;
	s25 =	simm.s32 $0x16C00  }
.LBB2_4:
0x16: {  	_ =	swait.ge [sflag:s16], $0x8000  }
0x17: {  	[sflag:s16] =	ssyncset.done $0x0  }
0x18: {  	s0 =	rddreg [dreg:$0x7];
	[sflag:s16] =	ssyncadd.s32 $0xFFFF8000  }
0x19: {  	[hbm4b:s0+s3] =	stream.linear.scatter [tilespmem:s31], [sflag:$0x5], $0x8000, $0x38;
	[tilespmem:$0x1C400] =	vst v63  }
0x1a: {  	_ =	swait.ge [sflag:s28], $0x8000  }
0x1b: {  	[sflag:s28] =	ssyncset.done $0x0  }
0x1c: {  	[sflag:s28] =	ssyncadd.s32 $0xFFFF8000  }
0x1d: {  	_ =	swait.ge [sflag:s29], $0x8000  }
0x1e: {  	[sflag:s29] =	ssyncset.done $0x0  }
0x1f: {  	s4 =	simm.s32 $0x8;
	[sflag:s29] =	ssyncadd.s32 $0xFFFF8000  }
0x20: {  	_ =	swait.ge [sflag:s4], $0x800  }
0x21: {  	s19 =	rddreg [dreg:$0x9]  }
0x22: {  	s21 =	rddreg [dreg:$0x8];
	s19 =	sadd.s32 $0x1, s19  }
0x23: {  	p0 =	sne.s32 s19, s21  }
.Ltmp1:
0x24: {  	_ = 	snop;
	(pc) =	sbr.rel @!p0 .LBB2_5-.Ltmp1, $3  }
0x25: {  	_ =	sdelay $0x1  }
0x26: {  	[sflag:s4] =	ssyncset.done $0x0  }
0x27: {  	[sflag:s4] =	ssyncadd.s32 $0xFFFFF800  }
.LBB2_1:
0x28: {  	[dreg:$0x9] =	wrdreg s19  }
0x29: {  	s0 =	rddreg [dreg:$0x5];
	s20 =	simm.s32 $0x9  }
0x2a: {  	[tilespmem:s3], [sflag:$0x9] =	stream.linear.gather [hbm4b:s0+s3], $0x400, $0x38;
	[tilespmem:$0x1C400] =	vst v63  }
0x2b: {  	_ =	swait.ge [sflag:s20], $0x400  }
0x2c: {  	[sflag:s20] =	ssyncset.done $0x0  }
0x2d: {  	[sflag:s20] =	ssyncadd.s32 $0xFFFFFC00  }
0x2e: {  	v3 =	vld [tilespmem:$0x0];
	_ =	sdelay $0x4  }
0x2f: {  	v4 =	vshll.u32 v3, $0x3  }
0x30: {  	v3 =	vand.u32 $0x7, v3;
	v4 =	vand.u32 $0xFFFFFFC0, v4  }
0x31: {  	v3 =	vor.u32 v3, v4  }
0x32: {  	v4 =	vperm.xlane v3, v0;
	_ =	sdelay $0x1  }
0x33: {  	v4 =	vadd.s32 v1, v4;
	_ =	sdelay $0x4  }
0x34: {  	[tilespmem:s14], [sflag:$0x1] =	stream.indirect_vreg.gather [hbm4b:s1+s3], $0x80, v4, vm0, $0xb8;
	[tilespmem:$0x1C400] =	vst v63  }
0x35: {  	s21 =	simm.s32 $0xC00;
	v3 =	vperm.xlane v3, v2  }
0x36: {  	[tilespmem:s21], [sflag:$0x1] =	stream.indirect_vreg.gather [hbm4b:s5+s3], $0x80, v4, vm0, $0xb8;
	[tilespmem:$0x1C400] =	vst v63  }
0x37: {  	s4 =	simm.s32 $0x1400;
	v3 =	vadd.s32 v1, v3  }
0x38: {  	[tilespmem:s4], [sflag:$0x1] =	stream.indirect_vreg.gather [hbm4b:s6+s3], $0x80, v4, vm0, $0xb8;
	[tilespmem:$0x1C400] =	vst v63  }
0x39: {  	s19 =	simm.s32 $0x1C00  }
0x3a: {  	[tilespmem:s19], [sflag:$0x1] =	stream.indirect_vreg.gather [hbm4b:s7+s3], $0x80, v4, vm0, $0xb8;
	[tilespmem:$0x1C400] =	vst v63  }
0x3b: {  	s20 =	simm.s32 $0x2400  }
0x3c: {  	[tilespmem:s20], [sflag:$0x1] =	stream.indirect_vreg.gather [hbm4b:s1+s3], $0x80, v3, vm0, $0xb8;
	[tilespmem:$0x1C400] =	vst v63  }
0x3d: {  	s21 =	simm.s32 $0x2C00  }
0x3e: {  	[tilespmem:s21], [sflag:$0x1] =	stream.indirect_vreg.gather [hbm4b:s5+s3], $0x80, v3, vm0, $0xb8;
	[tilespmem:$0x1C400] =	vst v63  }
0x3f: {  	s4 =	simm.s32 $0x3400  }
0x40: {  	[tilespmem:s4], [sflag:$0x1] =	stream.indirect_vreg.gather [hbm4b:s6+s3], $0x80, v3, vm0, $0xb8;
	[tilespmem:$0x1C400] =	vst v63  }
0x41: {  	s19 =	simm.s32 $0x3C00  }
0x42: {  	[tilespmem:s19], [sflag:$0x1] =	stream.indirect_vreg.gather [hbm4b:s7+s3], $0x80, v3, vm0, $0xb8;
	[tilespmem:$0x1C400] =	vst v63  }
0x43: {  	v3 =	vld [tilespmem:$0x10];
	_ =	sdelay $0x4  }
0x44: {  	v59 =	vshll.u32 v3, $0x3  }
0x45: {  	v3 =	vand.u32 $0x7, v3;
	v4 =	vand.u32 $0xFFFFFFC0, v59  }
0x46: {  	v3 =	vor.u32 v3, v4  }
0x47: {  	v4 =	vperm.xlane v3, v0;
	_ =	sdelay $0x1  }
0x48: {  	v4 =	vadd.s32 v1, v4;
	_ =	sdelay $0x3  }
0x49: {  	s20 =	simm.s32 $0x4400  }
0x4a: {  	[tilespmem:s20], [sflag:$0x1] =	stream.indirect_vreg.gather [hbm4b:s1+s3], $0x80, v4, vm0, $0xb8;
	[tilespmem:$0x1C400] =	vst v63  }
0x4b: {  	s21 =	simm.s32 $0x4C00;
	v3 =	vperm.xlane v3, v2  }
0x4c: {  	[tilespmem:s21], [sflag:$0x1] =	stream.indirect_vreg.gather [hbm4b:s5+s3], $0x80, v4, vm0, $0xb8;
	[tilespmem:$0x1C400] =	vst v63  }
0x4d: {  	s4 =	simm.s32 $0x5400;
	v3 =	vadd.s32 v1, v3  }
0x4e: {  	[tilespmem:s4], [sflag:$0x1] =	stream.indirect_vreg.gather [hbm4b:s6+s3], $0x80, v4, vm0, $0xb8;
	[tilespmem:$0x1C400] =	vst v63  }
0x4f: {  	s19 =	simm.s32 $0x5C00  }
0x50: {  	[tilespmem:s19], [sflag:$0x1] =	stream.indirect_vreg.gather [hbm4b:s7+s3], $0x80, v4, vm0, $0xb8;
	[tilespmem:$0x1C400] =	vst v63  }
0x51: {  	s20 =	simm.s32 $0x6400  }
0x52: {  	[tilespmem:s20], [sflag:$0x1] =	stream.indirect_vreg.gather [hbm4b:s1+s3], $0x80, v3, vm0, $0xb8;
	[tilespmem:$0x1C400] =	vst v63  }
0x53: {  	s21 =	simm.s32 $0x6C00  }
0x54: {  	[tilespmem:s21], [sflag:$0x1] =	stream.indirect_vreg.gather [hbm4b:s5+s3], $0x80, v3, vm0, $0xb8;
	[tilespmem:$0x1C400] =	vst v63  }
0x55: {  	s4 =	simm.s32 $0x7400  }
0x56: {  	[tilespmem:s4], [sflag:$0x1] =	stream.indirect_vreg.gather [hbm4b:s6+s3], $0x80, v3, vm0, $0xb8;
	[tilespmem:$0x1C400] =	vst v63  }
0x57: {  	s19 =	simm.s32 $0x7C00  }
0x58: {  	[tilespmem:s19], [sflag:$0x1] =	stream.indirect_vreg.gather [hbm4b:s7+s3], $0x80, v3, vm0, $0xb8;
	[tilespmem:$0x1C400] =	vst v63  }
0x59: {  	v3 =	vld [tilespmem:$0x20];
	_ =	sdelay $0x4  }
0x5a: {  	v60 =	vshll.u32 v3, $0x3  }
0x5b: {  	v3 =	vand.u32 $0x7, v3;
	v4 =	vand.u32 $0xFFFFFFC0, v60  }
0x5c: {  	v3 =	vor.u32 v3, v4  }
0x5d: {  	v4 =	vperm.xlane v3, v0;
	_ =	sdelay $0x1  }
0x5e: {  	v4 =	vadd.s32 v1, v4;
	_ =	sdelay $0x4  }
0x5f: {  	[tilespmem:s31], [sflag:$0x2] =	stream.indirect_vreg.gather [hbm4b:s1+s3], $0x80, v4, vm0, $0xb8;
	[tilespmem:$0x1C400] =	vst v63  }
0x60: {  	s20 =	simm.s32 $0x8C00;
	v3 =	vperm.xlane v3, v2  }
0x61: {  	[tilespmem:s20], [sflag:$0x2] =	stream.indirect_vreg.gather [hbm4b:s5+s3], $0x80, v4, vm0, $0xb8;
	[tilespmem:$0x1C400] =	vst v63  }
0x62: {  	s21 =	simm.s32 $0x9400;
	v3 =	vadd.s32 v1, v3  }
0x63: {  	[tilespmem:s21], [sflag:$0x2] =	stream.indirect_vreg.gather [hbm4b:s6+s3], $0x80, v4, vm0, $0xb8;
	[tilespmem:$0x1C400] =	vst v63  }
0x64: {  	s4 =	simm.s32 $0x9C00  }
0x65: {  	[tilespmem:s4], [sflag:$0x2] =	stream.indirect_vreg.gather [hbm4b:s7+s3], $0x80, v4, vm0, $0xb8;
	[tilespmem:$0x1C400] =	vst v63  }
0x66: {  	s19 =	simm.s32 $0xA400  }
0x67: {  	[tilespmem:s19], [sflag:$0x2] =	stream.indirect_vreg.gather [hbm4b:s1+s3], $0x80, v3, vm0, $0xb8;
	[tilespmem:$0x1C400] =	vst v63  }
0x68: {  	s20 =	simm.s32 $0xAC00  }
0x69: {  	[tilespmem:s20], [sflag:$0x2] =	stream.indirect_vreg.gather [hbm4b:s5+s3], $0x80, v3, vm0, $0xb8;
	[tilespmem:$0x1C400] =	vst v63  }
0x6a: {  	s21 =	simm.s32 $0xB400  }
0x6b: {  	[tilespmem:s21], [sflag:$0x2] =	stream.indirect_vreg.gather [hbm4b:s6+s3], $0x80, v3, vm0, $0xb8;
	[tilespmem:$0x1C400] =	vst v63  }
0x6c: {  	s4 =	simm.s32 $0xBC00  }
0x6d: {  	[tilespmem:s4], [sflag:$0x2] =	stream.indirect_vreg.gather [hbm4b:s7+s3], $0x80, v3, vm0, $0xb8;
	[tilespmem:$0x1C400] =	vst v63  }
0x6e: {  	v3 =	vld [tilespmem:$0x30];
	_ =	sdelay $0x4  }
0x6f: {  	v61 =	vshll.u32 v3, $0x3  }
0x70: {  	v3 =	vand.u32 $0x7, v3;
	v4 =	vand.u32 $0xFFFFFFC0, v61  }
0x71: {  	v3 =	vor.u32 v3, v4  }
0x72: {  	v4 =	vperm.xlane v3, v0;
	_ =	sdelay $0x1  }
0x73: {  	v4 =	vadd.s32 v1, v4;
	_ =	sdelay $0x3  }
0x74: {  	s19 =	simm.s32 $0xC400  }
0x75: {  	[tilespmem:s19], [sflag:$0x2] =	stream.indirect_vreg.gather [hbm4b:s1+s3], $0x80, v4, vm0, $0xb8;
	[tilespmem:$0x1C400] =	vst v63  }
0x76: {  	s20 =	simm.s32 $0xCC00;
	v3 =	vperm.xlane v3, v2  }
0x77: {  	[tilespmem:s20], [sflag:$0x2] =	stream.indirect_vreg.gather [hbm4b:s5+s3], $0x80, v4, vm0, $0xb8;
	[tilespmem:$0x1C400] =	vst v63  }
0x78: {  	s21 =	simm.s32 $0xD400;
	v3 =	vadd.s32 v1, v3  }
0x79: {  	[tilespmem:s21], [sflag:$0x2] =	stream.indirect_vreg.gather [hbm4b:s6+s3], $0x80, v4, vm0, $0xb8;
	[tilespmem:$0x1C400] =	vst v63  }
0x7a: {  	s4 =	simm.s32 $0xDC00  }
0x7b: {  	[tilespmem:s4], [sflag:$0x2] =	stream.indirect_vreg.gather [hbm4b:s7+s3], $0x80, v4, vm0, $0xb8;
	[tilespmem:$0x1C400] =	vst v63  }
0x7c: {  	s19 =	simm.s32 $0xE400  }
0x7d: {  	[tilespmem:s19], [sflag:$0x2] =	stream.indirect_vreg.gather [hbm4b:s1+s3], $0x80, v3, vm0, $0xb8;
	[tilespmem:$0x1C400] =	vst v63  }
0x7e: {  	s20 =	simm.s32 $0xEC00  }
0x7f: {  	[tilespmem:s20], [sflag:$0x2] =	stream.indirect_vreg.gather [hbm4b:s5+s3], $0x80, v3, vm0, $0xb8;
	[tilespmem:$0x1C400] =	vst v63  }
0x80: {  	s21 =	simm.s32 $0xF400  }
0x81: {  	[tilespmem:s21], [sflag:$0x2] =	stream.indirect_vreg.gather [hbm4b:s6+s3], $0x80, v3, vm0, $0xb8;
	[tilespmem:$0x1C400] =	vst v63  }
0x82: {  	_ = 	snop  }
0x83: {  	[tilespmem:s22], [sflag:$0x2] =	stream.indirect_vreg.gather [hbm4b:s7+s3], $0x80, v3, vm0, $0xb8;
	[tilespmem:$0x1C400] =	vst v63  }
0x84: {  	_ =	swait.ge [sflag:s23], $0x8000  }
0x85: {  	[sflag:s23] =	ssyncset.done $0x0  }
0x86: {  	s4 =	rddreg [dreg:$0x6];
	[sflag:s23] =	ssyncadd.s32 $0xFFFF8000  }
0x87: {  	[hbm4b:s4+s3] =	stream.linear.scatter [tilespmem:s14], [sflag:$0x4], $0x8000, $0x38;
	[tilespmem:$0x1C400] =	vst v63  }
0x88: {  	v3 =	vld [tilespmem:$0x40];
	_ =	sdelay $0x4  }
0x89: {  	v62 =	vshll.u32 v3, $0x3  }
0x8a: {  	v3 =	vand.u32 $0x7, v3;
	v4 =	vand.u32 $0xFFFFFFC0, v62  }
0x8b: {  	v3 =	vor.u32 v3, v4  }
0x8c: {  	v4 =	vperm.xlane v3, v0;
	_ =	sdelay $0x1  }
0x8d: {  	v4 =	vadd.s32 v1, v4;
	_ =	sdelay $0x4  }
0x8e: {  	[tilespmem:s24], [sflag:$0x3] =	stream.indirect_vreg.gather [hbm4b:s1+s3], $0x80, v4, vm0, $0xb8;
	[tilespmem:$0x1C400] =	vst v63  }
0x8f: {  	s19 =	simm.s32 $0x10C00;
	v3 =	vperm.xlane v3, v2  }
0x90: {  	[tilespmem:s19], [sflag:$0x3] =	stream.indirect_vreg.gather [hbm4b:s5+s3], $0x80, v4, vm0, $0xb8;
	[tilespmem:$0x1C400] =	vst v63  }
0x91: {  	s20 =	simm.s32 $0x11400;
	v3 =	vadd.s32 v1, v3  }
0x92: {  	[tilespmem:s20], [sflag:$0x3] =	stream.indirect_vreg.gather [hbm4b:s6+s3], $0x80, v4, vm0, $0xb8;
	[tilespmem:$0x1C400] =	vst v63  }
0x93: {  	s21 =	simm.s32 $0x11C00  }
0x94: {  	[tilespmem:s21], [sflag:$0x3] =	stream.indirect_vreg.gather [hbm4b:s7+s3], $0x80, v4, vm0, $0xb8;
	[tilespmem:$0x1C400] =	vst v63  }
0x95: {  	s4 =	simm.s32 $0x12400  }
0x96: {  	[tilespmem:s4], [sflag:$0x3] =	stream.indirect_vreg.gather [hbm4b:s1+s3], $0x80, v3, vm0, $0xb8;
	[tilespmem:$0x1C400] =	vst v63  }
0x97: {  	s19 =	simm.s32 $0x12C00  }
0x98: {  	[tilespmem:s19], [sflag:$0x3] =	stream.indirect_vreg.gather [hbm4b:s5+s3], $0x80, v3, vm0, $0xb8;
	[tilespmem:$0x1C400] =	vst v63  }
0x99: {  	s20 =	simm.s32 $0x13400  }
0x9a: {  	[tilespmem:s20], [sflag:$0x3] =	stream.indirect_vreg.gather [hbm4b:s6+s3], $0x80, v3, vm0, $0xb8;
	[tilespmem:$0x1C400] =	vst v63  }
0x9b: {  	s21 =	simm.s32 $0x13C00  }
0x9c: {  	[tilespmem:s21], [sflag:$0x3] =	stream.indirect_vreg.gather [hbm4b:s7+s3], $0x80, v3, vm0, $0xb8;
	[tilespmem:$0x1C400] =	vst v63  }
0x9d: {  	v3 =	vld [tilespmem:$0x50];
	_ =	sdelay $0x4  }
0x9e: {  	v63 =	vshll.u32 v3, $0x3  }
0x9f: {  	v3 =	vand.u32 $0x7, v3;
	v4 =	vand.u32 $0xFFFFFFC0, v63  }
0xa0: {  	v3 =	vor.u32 v3, v4  }
0xa1: {  	v4 =	vperm.xlane v3, v0;
	_ =	sdelay $0x1  }
0xa2: {  	v4 =	vadd.s32 v1, v4;
	_ =	sdelay $0x4  }
0xa3: {  	[tilespmem:s10], [sflag:$0x3] =	stream.indirect_vreg.gather [hbm4b:s1+s3], $0x80, v4, vm0, $0xb8;
	[tilespmem:$0x1C400] =	vst v63  }
0xa4: {  	v3 =	vperm.xlane v3, v2  }
0xa5: {  	[tilespmem:s11], [sflag:$0x3] =	stream.indirect_vreg.gather [hbm4b:s5+s3], $0x80, v4, vm0, $0xb8;
	[tilespmem:$0x1C400] =	vst v63  }
0xa6: {  	v3 =	vadd.s32 v1, v3  }
0xa7: {  	[tilespmem:s8], [sflag:$0x3] =	stream.indirect_vreg.gather [hbm4b:s6+s3], $0x80, v4, vm0, $0xb8;
	[tilespmem:$0x1C400] =	vst v63  }
0xa8: {  	_ = 	snop  }
0xa9: {  	[tilespmem:s13], [sflag:$0x3] =	stream.indirect_vreg.gather [hbm4b:s7+s3], $0x80, v4, vm0, $0xb8;
	[tilespmem:$0x1C400] =	vst v63  }
0xaa: {  	_ = 	snop  }
0xab: {  	[tilespmem:s2], [sflag:$0x3] =	stream.indirect_vreg.gather [hbm4b:s1+s3], $0x80, v3, vm0, $0xb8;
	[tilespmem:$0x1C400] =	vst v63  }
0xac: {  	_ = 	snop  }
0xad: {  	[tilespmem:s25], [sflag:$0x3] =	stream.indirect_vreg.gather [hbm4b:s5+s3], $0x80, v3, vm0, $0xb8;
	[tilespmem:$0x1C400] =	vst v63  }
0xae: {  	_ = 	snop  }
0xaf: {  	[tilespmem:s15], [sflag:$0x3] =	stream.indirect_vreg.gather [hbm4b:s6+s3], $0x80, v3, vm0, $0xb8;
	[tilespmem:$0x1C400] =	vst v63  }
0xb0: {  	s0 =	simm.s32 $0x0;
	s19 =	simm.s32 $0xB0  }
0xb1: {  	[tilespmem:s26], [sflag:$0x3] =	stream.indirect_vreg.gather [hbm4b:s7+s3], $0x80, v3, vm0, $0xb8;
	[tilespmem:$0x1C400] =	vst v63  }
.LBB2_2:
0xb2: {  	_ =	swait.ge [sflag:s16], $0x8000  }
0xb3: {  	s20 =	sadd.s32 s0, s12;
	[sflag:s16] =	ssyncset.done $0x0  }
0xb4: {  	s4 =	sadd.s32 $0x1000, s20;
	[sflag:s16] =	ssyncadd.s32 $0xFFFF8000  }
0xb5: {  	[hbm4b:s4+s3] =	stream.linear.scatter [tilespmem:s31], [sflag:$0x5], $0x8000, $0x38;
	[tilespmem:$0x1C400] =	vst v63  }
0xb6: {  	_ =	swait.ge [sflag:s28], $0x8000  }
0xb7: {  	[sflag:s28] =	ssyncset.done $0x0  }
0xb8: {  	[sflag:s28] =	ssyncadd.s32 $0xFFFF8000  }
0xb9: {  	v3 =	vld [tilespmem:s19+$0xFFFFFFB0];
	_ =	sdelay $0x4  }
0xba: {  	v4 =	vshll.u32 v3, $0x3  }
0xbb: {  	v3 =	vand.u32 $0x7, v3;
	v4 =	vand.u32 $0xFFFFFFC0, v4  }
0xbc: {  	v3 =	vor.u32 v3, v4  }
0xbd: {  	v4 =	vperm.xlane v3, v0;
	_ =	sdelay $0x1  }
0xbe: {  	v4 =	vadd.s32 v1, v4;
	_ =	sdelay $0x4  }
0xbf: {  	[tilespmem:s14], [sflag:$0x1] =	stream.indirect_vreg.gather [hbm4b:s1+s3], $0x80, v4, vm0, $0xb8;
	[tilespmem:$0x1C400] =	vst v63  }
0xc0: {  	s21 =	simm.s32 $0xC00;
	v3 =	vperm.xlane v3, v2  }
0xc1: {  	[tilespmem:s21], [sflag:$0x1] =	stream.indirect_vreg.gather [hbm4b:s5+s3], $0x80, v4, vm0, $0xb8;
	[tilespmem:$0x1C400] =	vst v63  }
0xc2: {  	v3 =	vadd.s32 v1, v3;
	s21 =	simm.s32 $0x1400  }
0xc3: {  	[tilespmem:s21], [sflag:$0x1] =	stream.indirect_vreg.gather [hbm4b:s6+s3], $0x80, v4, vm0, $0xb8;
	[tilespmem:$0x1C400] =	vst v63  }
0xc4: {  	s21 =	simm.s32 $0x1C00  }
0xc5: {  	[tilespmem:s21], [sflag:$0x1] =	stream.indirect_vreg.gather [hbm4b:s7+s3], $0x80, v4, vm0, $0xb8;
	[tilespmem:$0x1C400] =	vst v63  }
0xc6: {  	s21 =	simm.s32 $0x2400  }
0xc7: {  	[tilespmem:s21], [sflag:$0x1] =	stream.indirect_vreg.gather [hbm4b:s1+s3], $0x80, v3, vm0, $0xb8;
	[tilespmem:$0x1C400] =	vst v63  }
0xc8: {  	s21 =	simm.s32 $0x2C00  }
0xc9: {  	[tilespmem:s21], [sflag:$0x1] =	stream.indirect_vreg.gather [hbm4b:s5+s3], $0x80, v3, vm0, $0xb8;
	[tilespmem:$0x1C400] =	vst v63  }
0xca: {  	s21 =	simm.s32 $0x3400  }
0xcb: {  	[tilespmem:s21], [sflag:$0x1] =	stream.indirect_vreg.gather [hbm4b:s6+s3], $0x80, v3, vm0, $0xb8;
	[tilespmem:$0x1C400] =	vst v63  }
0xcc: {  	s21 =	simm.s32 $0x3C00  }
0xcd: {  	[tilespmem:s21], [sflag:$0x1] =	stream.indirect_vreg.gather [hbm4b:s7+s3], $0x80, v3, vm0, $0xb8;
	[tilespmem:$0x1C400] =	vst v63  }
0xce: {  	v3 =	vld [tilespmem:s19+$0xFFFFFFC0];
	_ =	sdelay $0x4  }
0xcf: {  	v61 =	vshll.u32 v3, $0x3  }
0xd0: {  	v3 =	vand.u32 $0x7, v3;
	v4 =	vand.u32 $0xFFFFFFC0, v61  }
0xd1: {  	v3 =	vor.u32 v3, v4  }
0xd2: {  	v4 =	vperm.xlane v3, v0;
	_ =	sdelay $0x1  }
0xd3: {  	v4 =	vadd.s32 v1, v4;
	_ =	sdelay $0x3  }
0xd4: {  	s21 =	simm.s32 $0x4400  }
0xd5: {  	[tilespmem:s21], [sflag:$0x1] =	stream.indirect_vreg.gather [hbm4b:s1+s3], $0x80, v4, vm0, $0xb8;
	[tilespmem:$0x1C400] =	vst v63  }
0xd6: {  	v3 =	vperm.xlane v3, v2;
	s21 =	simm.s32 $0x4C00  }
0xd7: {  	[tilespmem:s21], [sflag:$0x1] =	stream.indirect_vreg.gather [hbm4b:s5+s3], $0x80, v4, vm0, $0xb8;
	[tilespmem:$0x1C400] =	vst v63  }
0xd8: {  	v3 =	vadd.s32 v1, v3;
	s21 =	simm.s32 $0x5400  }
0xd9: {  	[tilespmem:s21], [sflag:$0x1] =	stream.indirect_vreg.gather [hbm4b:s6+s3], $0x80, v4, vm0, $0xb8;
	[tilespmem:$0x1C400] =	vst v63  }
0xda: {  	s21 =	simm.s32 $0x5C00  }
0xdb: {  	[tilespmem:s21], [sflag:$0x1] =	stream.indirect_vreg.gather [hbm4b:s7+s3], $0x80, v4, vm0, $0xb8;
	[tilespmem:$0x1C400] =	vst v63  }
0xdc: {  	s21 =	simm.s32 $0x6400  }
0xdd: {  	[tilespmem:s21], [sflag:$0x1] =	stream.indirect_vreg.gather [hbm4b:s1+s3], $0x80, v3, vm0, $0xb8;
	[tilespmem:$0x1C400] =	vst v63  }
0xde: {  	s21 =	simm.s32 $0x6C00  }
0xdf: {  	[tilespmem:s21], [sflag:$0x1] =	stream.indirect_vreg.gather [hbm4b:s5+s3], $0x80, v3, vm0, $0xb8;
	[tilespmem:$0x1C400] =	vst v63  }
0xe0: {  	s21 =	simm.s32 $0x7400  }
0xe1: {  	[tilespmem:s21], [sflag:$0x1] =	stream.indirect_vreg.gather [hbm4b:s6+s3], $0x80, v3, vm0, $0xb8;
	[tilespmem:$0x1C400] =	vst v63  }
0xe2: {  	s21 =	simm.s32 $0x7C00  }
0xe3: {  	[tilespmem:s21], [sflag:$0x1] =	stream.indirect_vreg.gather [hbm4b:s7+s3], $0x80, v3, vm0, $0xb8;
	[tilespmem:$0x1C400] =	vst v63  }
0xe4: {  	_ =	swait.ge [sflag:s17], $0x8000  }
0xe5: {  	p0 =	seq.s32 s0, $0x0;
	[sflag:s17] =	ssyncset.done $0x0  }
0xe6: {  	s4 =	simm.s32 @!p0 $0x8;
	[sflag:s17] =	ssyncadd.s32 $0xFFFF8000  }
0xe7: {  	_ =	swait.ge @!p0 [sflag:s4], $0x800  }
0xe8: {  	[sflag:s4] =	ssyncset.done @!p0 $0x0  }
0xe9: {  	[sflag:s4] =	ssyncadd.s32 @!p0 $0xFFFFF800  }
0xea: {  	[spmem:s9] =	stream.linear.scatter [tilespmem:s24], [sflag:$0x7], $0x4000, $0x38;
	[tilespmem:$0x1C400] =	vst v63  }
0xeb: {  	s21 =	sadd.s32 $0x2800, s20  }
0xec: {  	[hbm4b:s21+s3] =	stream.linear.scatter [tilespmem:s10], [sflag:$0x6], $0x4000, $0x38;
	[tilespmem:$0x1C400] =	vst v63  }
0xed: {  	_ =	swait.ge [sflag:s29], $0x8000  }
0xee: {  	[sflag:s29] =	ssyncset.done $0x0  }
0xef: {  	[sflag:s29] =	ssyncadd.s32 $0xFFFF8000  }
0xf0: {  	v3 =	vld [tilespmem:s19+$0xFFFFFFD0];
	_ =	sdelay $0x4  }
0xf1: {  	v62 =	vshll.u32 v3, $0x3  }
0xf2: {  	v3 =	vand.u32 $0x7, v3;
	v4 =	vand.u32 $0xFFFFFFC0, v62  }
0xf3: {  	v3 =	vor.u32 v3, v4  }
0xf4: {  	v4 =	vperm.xlane v3, v0;
	_ =	sdelay $0x1  }
0xf5: {  	v4 =	vadd.s32 v1, v4;
	_ =	sdelay $0x4  }
0xf6: {  	[tilespmem:s31], [sflag:$0x2] =	stream.indirect_vreg.gather [hbm4b:s1+s3], $0x80, v4, vm0, $0xb8;
	[tilespmem:$0x1C400] =	vst v63  }
0xf7: {  	s21 =	simm.s32 $0x8C00;
	v3 =	vperm.xlane v3, v2  }
0xf8: {  	[tilespmem:s21], [sflag:$0x2] =	stream.indirect_vreg.gather [hbm4b:s5+s3], $0x80, v4, vm0, $0xb8;
	[tilespmem:$0x1C400] =	vst v63  }
0xf9: {  	v3 =	vadd.s32 v1, v3;
	s21 =	simm.s32 $0x9400  }
0xfa: {  	[tilespmem:s21], [sflag:$0x2] =	stream.indirect_vreg.gather [hbm4b:s6+s3], $0x80, v4, vm0, $0xb8;
	[tilespmem:$0x1C400] =	vst v63  }
0xfb: {  	s21 =	simm.s32 $0x9C00  }
0xfc: {  	[tilespmem:s21], [sflag:$0x2] =	stream.indirect_vreg.gather [hbm4b:s7+s3], $0x80, v4, vm0, $0xb8;
	[tilespmem:$0x1C400] =	vst v63  }
0xfd: {  	s21 =	simm.s32 $0xA400  }
0xfe: {  	[tilespmem:s21], [sflag:$0x2] =	stream.indirect_vreg.gather [hbm4b:s1+s3], $0x80, v3, vm0, $0xb8;
	[tilespmem:$0x1C400] =	vst v63  }
0xff: {  	s21 =	simm.s32 $0xAC00  }
0x100: {  	[tilespmem:s21], [sflag:$0x2] =	stream.indirect_vreg.gather [hbm4b:s5+s3], $0x80, v3, vm0, $0xb8;
	[tilespmem:$0x1C400] =	vst v63  }
0x101: {  	s21 =	simm.s32 $0xB400  }
0x102: {  	[tilespmem:s21], [sflag:$0x2] =	stream.indirect_vreg.gather [hbm4b:s6+s3], $0x80, v3, vm0, $0xb8;
	[tilespmem:$0x1C400] =	vst v63  }
0x103: {  	s21 =	simm.s32 $0xBC00  }
0x104: {  	[tilespmem:s21], [sflag:$0x2] =	stream.indirect_vreg.gather [hbm4b:s7+s3], $0x80, v3, vm0, $0xb8;
	[tilespmem:$0x1C400] =	vst v63  }
0x105: {  	v3 =	vld [tilespmem:s19+$0xFFFFFFE0];
	_ =	sdelay $0x4  }
0x106: {  	v63 =	vshll.u32 v3, $0x3  }
0x107: {  	v3 =	vand.u32 $0x7, v3;
	v4 =	vand.u32 $0xFFFFFFC0, v63  }
0x108: {  	v3 =	vor.u32 v3, v4  }
0x109: {  	v4 =	vperm.xlane v3, v0;
	_ =	sdelay $0x1  }
0x10a: {  	v4 =	vadd.s32 v1, v4;
	_ =	sdelay $0x3  }
0x10b: {  	s21 =	simm.s32 $0xC400  }
0x10c: {  	[tilespmem:s21], [sflag:$0x2] =	stream.indirect_vreg.gather [hbm4b:s1+s3], $0x80, v4, vm0, $0xb8;
	[tilespmem:$0x1C400] =	vst v63  }
0x10d: {  	v3 =	vperm.xlane v3, v2;
	s21 =	simm.s32 $0xCC00  }
0x10e: {  	[tilespmem:s21], [sflag:$0x2] =	stream.indirect_vreg.gather [hbm4b:s5+s3], $0x80, v4, vm0, $0xb8;
	[tilespmem:$0x1C400] =	vst v63  }
0x10f: {  	v3 =	vadd.s32 v1, v3;
	s21 =	simm.s32 $0xD400  }
0x110: {  	[tilespmem:s21], [sflag:$0x2] =	stream.indirect_vreg.gather [hbm4b:s6+s3], $0x80, v4, vm0, $0xb8;
	[tilespmem:$0x1C400] =	vst v63  }
0x111: {  	s21 =	simm.s32 $0xDC00  }
0x112: {  	[tilespmem:s21], [sflag:$0x2] =	stream.indirect_vreg.gather [hbm4b:s7+s3], $0x80, v4, vm0, $0xb8;
	[tilespmem:$0x1C400] =	vst v63  }
0x113: {  	s21 =	simm.s32 $0xE400  }
0x114: {  	[tilespmem:s21], [sflag:$0x2] =	stream.indirect_vreg.gather [hbm4b:s1+s3], $0x80, v3, vm0, $0xb8;
	[tilespmem:$0x1C400] =	vst v63  }
0x115: {  	s21 =	simm.s32 $0xEC00  }
0x116: {  	[tilespmem:s21], [sflag:$0x2] =	stream.indirect_vreg.gather [hbm4b:s5+s3], $0x80, v3, vm0, $0xb8;
	[tilespmem:$0x1C400] =	vst v63  }
0x117: {  	s21 =	simm.s32 $0xF400  }
0x118: {  	[tilespmem:s21], [sflag:$0x2] =	stream.indirect_vreg.gather [hbm4b:s6+s3], $0x80, v3, vm0, $0xb8;
	[tilespmem:$0x1C400] =	vst v63  }
0x119: {  	_ = 	snop  }
0x11a: {  	[tilespmem:s22], [sflag:$0x2] =	stream.indirect_vreg.gather [hbm4b:s7+s3], $0x80, v3, vm0, $0xb8;
	[tilespmem:$0x1C400] =	vst v63  }
0x11b: {  	_ =	swait.ge [sflag:s23], $0x8000  }
0x11c: {  	[sflag:s23] =	ssyncset.done $0x0  }
0x11d: {  	s21 =	sadd.s32 $0x3000, s20;
	[sflag:s23] =	ssyncadd.s32 $0xFFFF8000  }
0x11e: {  	[hbm4b:s21+s3] =	stream.linear.scatter [tilespmem:s14], [sflag:$0x4], $0x8000, $0x38;
	[tilespmem:$0x1C400] =	vst v63  }
0x11f: {  	_ =	swait.ge [sflag:s18], $0x4000  }
0x120: {  	p0 =	seq.s32 s0, $0x1B000;
	[sflag:s18] =	ssyncset.done $0x0  }
.Ltmp2:
0x121: {  	[sflag:s18] =	ssyncadd.s32 $0xFFFFC000;
	(pc) =	sbr.rel @p0 .LBB2_4-.Ltmp2, $4  }
0x122: {  	s21 =	stileid.u32;
	_ =	swait.ge [sflag:s30], $0x4000  }
0x123: {  	s20 =	sadd.s32 $0x2000, s20;
	s4 =	sshll.u32 s21, $0x6;
	[sflag:s30] =	ssyncset.done $0x0  }
0x124: {  	s21 =	sshrl.u32 s9, $0x3;
	s4 =	sor.u32 $0x1C08, s4;
	[sflag:s30] =	ssyncadd.s32 $0xFFFFC000  }
0x125: {  	[hbm:s20], [sflag:s4] =	dma.local [spmem:s21], $0x800  }
0x126: {  	v3 =	vld [tilespmem:s19+$0xFFFFFFF0];
	_ =	sdelay $0x4  }
0x127: {  	v4 =	vshll.u32 v3, $0x3  }
0x128: {  	v3 =	vand.u32 $0x7, v3;
	v4 =	vand.u32 $0xFFFFFFC0, v4  }
0x129: {  	v3 =	vor.u32 v3, v4  }
0x12a: {  	v4 =	vperm.xlane v3, v0;
	_ =	sdelay $0x1  }
0x12b: {  	v4 =	vadd.s32 v1, v4;
	_ =	sdelay $0x4  }
0x12c: {  	[tilespmem:s24], [sflag:$0x3] =	stream.indirect_vreg.gather [hbm4b:s1+s3], $0x80, v4, vm0, $0xb8;
	[tilespmem:$0x1C400] =	vst v63  }
0x12d: {  	s4 =	simm.s32 $0x10C00;
	v3 =	vperm.xlane v3, v2  }
0x12e: {  	[tilespmem:s4], [sflag:$0x3] =	stream.indirect_vreg.gather [hbm4b:s5+s3], $0x80, v4, vm0, $0xb8;
	[tilespmem:$0x1C400] =	vst v63  }
0x12f: {  	s20 =	simm.s32 $0x11400;
	v3 =	vadd.s32 v1, v3  }
0x130: {  	[tilespmem:s20], [sflag:$0x3] =	stream.indirect_vreg.gather [hbm4b:s6+s3], $0x80, v4, vm0, $0xb8;
	[tilespmem:$0x1C400] =	vst v63  }
0x131: {  	s21 =	simm.s32 $0x11C00  }
0x132: {  	[tilespmem:s21], [sflag:$0x3] =	stream.indirect_vreg.gather [hbm4b:s7+s3], $0x80, v4, vm0, $0xb8;
	[tilespmem:$0x1C400] =	vst v63  }
0x133: {  	s20 =	simm.s32 $0x12400  }
0x134: {  	[tilespmem:s20], [sflag:$0x3] =	stream.indirect_vreg.gather [hbm4b:s1+s3], $0x80, v3, vm0, $0xb8;
	[tilespmem:$0x1C400] =	vst v63  }
0x135: {  	s21 =	simm.s32 $0x12C00  }
0x136: {  	[tilespmem:s21], [sflag:$0x3] =	stream.indirect_vreg.gather [hbm4b:s5+s3], $0x80, v3, vm0, $0xb8;
	[tilespmem:$0x1C400] =	vst v63  }
0x137: {  	s20 =	simm.s32 $0x13400  }
0x138: {  	[tilespmem:s20], [sflag:$0x3] =	stream.indirect_vreg.gather [hbm4b:s6+s3], $0x80, v3, vm0, $0xb8;
	[tilespmem:$0x1C400] =	vst v63  }
0x139: {  	s21 =	simm.s32 $0x13C00  }
0x13a: {  	[tilespmem:s21], [sflag:$0x3] =	stream.indirect_vreg.gather [hbm4b:s7+s3], $0x80, v3, vm0, $0xb8;
	[tilespmem:$0x1C400] =	vst v63  }
0x13b: {  	v3 =	vld [tilespmem:s19+$0x0];
	_ =	sdelay $0x4  }
0x13c: {  	v63 =	vshll.u32 v3, $0x3  }
0x13d: {  	v3 =	vand.u32 $0x7, v3;
	v4 =	vand.u32 $0xFFFFFFC0, v63  }
0x13e: {  	v3 =	vor.u32 v3, v4  }
0x13f: {  	v4 =	vperm.xlane v3, v0;
	_ =	sdelay $0x1  }
0x140: {  	v4 =	vadd.s32 v1, v4;
	_ =	sdelay $0x4  }
0x141: {  	[tilespmem:s10], [sflag:$0x3] =	stream.indirect_vreg.gather [hbm4b:s1+s3], $0x80, v4, vm0, $0xb8;
	[tilespmem:$0x1C400] =	vst v63  }
0x142: {  	v3 =	vperm.xlane v3, v2  }
0x143: {  	[tilespmem:s11], [sflag:$0x3] =	stream.indirect_vreg.gather [hbm4b:s5+s3], $0x80, v4, vm0, $0xb8;
	[tilespmem:$0x1C400] =	vst v63  }
0x144: {  	v3 =	vadd.s32 v1, v3  }
0x145: {  	[tilespmem:s8], [sflag:$0x3] =	stream.indirect_vreg.gather [hbm4b:s6+s3], $0x80, v4, vm0, $0xb8;
	[tilespmem:$0x1C400] =	vst v63  }
0x146: {  	_ = 	snop  }
0x147: {  	[tilespmem:s13], [sflag:$0x3] =	stream.indirect_vreg.gather [hbm4b:s7+s3], $0x80, v4, vm0, $0xb8;
	[tilespmem:$0x1C400] =	vst v63  }
0x148: {  	_ = 	snop  }
0x149: {  	[tilespmem:s2], [sflag:$0x3] =	stream.indirect_vreg.gather [hbm4b:s1+s3], $0x80, v3, vm0, $0xb8;
	[tilespmem:$0x1C400] =	vst v63  }
0x14a: {  	_ = 	snop  }
0x14b: {  	[tilespmem:s25], [sflag:$0x3] =	stream.indirect_vreg.gather [hbm4b:s5+s3], $0x80, v3, vm0, $0xb8;
	[tilespmem:$0x1C400] =	vst v63  }
.Ltmp3:
0x14c: {  	_ = 	snop;
	(pc) =	sbr.rel .LBB2_2-.Ltmp3, $4  }
0x14d: {  	_ = 	snop  }
0x14e: {  	[tilespmem:s15], [sflag:$0x3] =	stream.indirect_vreg.gather [hbm4b:s6+s3], $0x80, v3, vm0, $0xb8;
	[tilespmem:$0x1C400] =	vst v63  }
0x14f: {  	s0 =	sadd.s32 $0x3000, s0;
	s19 =	sadd.s32 $0x60, s19  }
0x150: {  	[tilespmem:s26], [sflag:$0x3] =	stream.indirect_vreg.gather [hbm4b:s7+s3], $0x80, v3, vm0, $0xb8;
	[tilespmem:$0x1C400] =	vst v63  }
.LBB2_5:
0x151: {  	_ =	sfence.sel $0x180000  }
0x152: {  	[bflag:$0x0] =	sbarrier.arrive $0xFFFF  }
0x153: {  	_ =	strace $0x90000047  }
0x154: {  	s0 =	stileid.u32;
	[bflag:$0x2] =	sbarrier.arrive $0xFFFF  }
0x155: {  	p0 =	sne.s32 s0, $0x0;
	s0 =	rddreg [dreg:$0x4]  }
0x156: {  	s0 =	sadd.s32 @!p0 $0x100000, s0  }
0x157: {  	[sflag:s0] =	ssyncadd.tile.s32 @!p0 $0x1;
	_ =	shalt  }
.Lfunc_end2:
_tile_overlayer_lowered:
.L_overlay_start_2:
0x158: {  	(tag) =	ssettag $0x2  }
0x159: {  	s0 =	rddreg [dreg:$0x0];
	s2 =	stileid.u32  }
0x15a: {  	s1 =	rddreg [dreg:$0x1];
	p0 =	sne.s32 s2, $0x0  }
0x15b: {  	s3 =	rddreg [dreg:$0x2];
	[bflag:$0x3] =	sbarrier.arrive $0xFFFF;
	s2 =	simm.s32 @!p0 $0x1C09  }
0x15c: {  	[timem:s3], [sflag:s2] =	dma.local @!p0 [hbm:s0], s1  }
0x15d: {  	s0 =	simm.s32 @!p0 $0x9  }
0x15e: {  	_ =	swait.ge @!p0 [sflag:s0], s1  }
0x15f: {  	s1 =	ssub.s32 @!p0 $0x0, s1;
	[sflag:s0] =	ssyncset.done @!p0 $0x0  }
0x160: {  	[sflag:s0] =	ssyncadd.s32 @!p0 s1  }
0x161: {  	[bflag:$0x3] =	sbarrier.arrive $0xFFFF  }
0x162: {  	_ =	shalt  }

// kernel: kernel.8.cloned.1.call-start
scs
__scs_entry_jumppad:
0x0: {  	(pc) =	sbr.rel $0x88, $3  }
0x1: {  	(tag) =	ssettag $0x0;
	lr =	simm.s32 $0x1  }
0x2: {  	[smem:$0x3F9A] =	sst lr;
	_ =	strace $0xD0000000  }
0x3: {  	_ = 	snop  }
0x4: {  	_ = 	snop  }
0x5: {  	_ = 	snop  }
0x6: {  	_ = 	snop  }
0x7: {  	_ = 	snop  }
__scs_overlays_trampoline_lowered:
0x8: {  	[smem:$0x3FA9] =	sst s0  }
0x9: {  	[smem:$0x3FAA] =	sst s1  }
0xa: {  	[smem:$0x3FAB] =	sst s2  }
0xb: {  	[smem:$0x3FAC] =	sst s3  }
0xc: {  	[smem:$0x3FAD] =	sst s4  }
0xd: {  	[smem:$0x3FAE] =	sst s5  }
0xe: {  	[smem:$0x3FAF] =	sst s6  }
0xf: {  	[smem:$0x3FB0] =	sst s7  }
0x10: {  	[smem:$0x3FB1] =	sst s8  }
0x11: {  	[smem:$0x3FB2] =	sst s9;
	s0 =	simm.s32 @!p0 $0x0  }
0x12: {  	s1 =	sld [smem:$0x3F98];
	s0 =	simm.s32 @p0 $0x1  }
0x13: {  	[smem:$0x3FB3] =	sst s0;
	s0 =	simm.s32 @!p1 $0x0  }
0x14: {  	s2 =	sld [smem:$0x3F97];
	s0 =	simm.s32 @p1 $0x1  }
0x15: {  	[smem:$0x3FB4] =	sst s0;
	s0 =	simm.s32 @!p2 $0x0  }
0x16: {  	s3 =	sld [smem:$0x3FDB];
	s0 =	simm.s32 @p2 $0x1  }
0x17: {  	s4 =	simm.s32 $0x1BF5;
	[smem:$0x3FB6] =	sst s0  }
0x18: {  	s0 =	sld [smem:$0x3F99];
	_ =	swait.ge [sflag:s4], $0x0  }
0x19: {  	s7 =	sld [smem:$0x3F9A]  }
0x1a: {  	s8 =	sadd.s32 $0xFFFFE003, lr  }
0x1b: {  	s9 =	sadd.s32 $0xFFFFFEF7, lr;
	s5 =	simm.s32 $0xFFFFFFFF;
	p2 =	slt.u32 s8, $0xFFFFF086  }
0x1c: {  	p1 =	slt.u32 s9, $0xF7A;
	s5 =	simm.s32 @!p2 $0x0  }
0x1d: {  	s5 =	simm.s32 @p1 $0x1;
	p0 =	seq.s32 s7, s2  }
0x1e: {  	s7 =	smul.u32 @!p0 $0xF7A, s2;
	p2 =	seq.s32 @!p0 s5, $0x0  }
0x1f: {  	s9 =	smul.u32 $0xF7A, s1;
	s8 =	simm.s32 @!p0 $0x1BF5;
	p2 =	por !p2, p0  }
0x20: {  	[sflag:s8] =	ssyncset.s32 @!p0 $0xFFFFF086;
	s6 =	sadd.s32 @!p0 s3, s7;
	s7 =	simm.s32 @!p0 $0x108  }
0x21: {  	s3 =	sadd.s32 s3, s9;
	s6 =	sadd.s32 @!p0 $0x88, s6;
	s7 =	simm.s32 @p2 $0x1082  }
0x22: {  	[simem:s7], [sflag:s8] =	dma.local @!p0 [hbm:s6], $0xF7A  }
0x23: {  	s9 =	sor.u32 $0xD0000000, s2;
	s6 =	simm.s32 $0x108;
	_ =	swait.ge @!p0 [sflag:s8], $0x0  }
0x24: {  	s3 =	sadd.s32 $0x88, s3;
	s6 =	simm.s32 @!p1 $0x1082;
	[sflag:s4] =	ssyncset.s32 $0xFFFFF086  }
0x25: {  	[simem:s6], [sflag:s4] =	dma.local [hbm:s3], $0xF7A  }
0x26: {  	[smem:$0x3F9A] =	sst s1;
	(tag) =	ssettag s2;
	_ =	strace s9  }
0x27: {  	s1 =	sld [smem:$0x3FAA]  }
0x28: {  	s2 =	sld [smem:$0x3FAB]  }
0x29: {  	s4 =	sld [smem:$0x3FAD]  }
0x2a: {  	p0 =	seq.s32 s5, $0x0;
	s5 =	sld [smem:$0x3FAE]  }
0x2b: {  	s6 =	sld [smem:$0x3FAF]  }
0x2c: {  	s7 =	sld [smem:$0x3FB0]  }
0x2d: {  	s3 =	simm.s32 $0x108;
	s8 =	sld [smem:$0x3FB1]  }
0x2e: {  	s3 =	simm.s32 @!p0 $0x1082;
	s9 =	sld [smem:$0x3FB2]  }
0x2f: {  	lr =	sadd.s32 s0, s3;
	s0 =	sld [smem:$0x3FA9]  }
0x30: {  	s3 =	sld [smem:$0x3FAC]  }
0x31: {  	[smem:$0x3FB5] =	sst s10  }
0x32: {  	s10 =	sld [smem:$0x3FB3];
	_ =	sdelay $0x3  }
0x33: {  	p0 =	seq.s32 s10, $0x1;
	s10 =	sld [smem:$0x3FB5];
	_ =	sdelay $0x3  }
0x34: {  	[smem:$0x3FB5] =	sst s10  }
0x35: {  	s10 =	sld [smem:$0x3FB4];
	_ =	sdelay $0x3  }
0x36: {  	p1 =	seq.s32 s10, $0x1;
	s10 =	sld [smem:$0x3FB5];
	_ =	sdelay $0x3  }
0x37: {  	[smem:$0x3FB5] =	sst s10  }
0x38: {  	s10 =	sld [smem:$0x3FB6]  }
0x39: {  	_ = 	snop;
	(pc) =	sbr.ind lr, $3  }
0x3a: {  	_ = 	snop  }
0x3b: {  	_ = 	snop  }
0x3c: {  	p2 =	seq.s32 s10, $0x1;
	s10 =	sld [smem:$0x3FB5]  }
0x3d: {  	_ =	shalt  }
0x3e: {  	_ =	shalt  }
0x3f: {  	_ =	shalt  }
0x40: {  	_ =	shalt  }
0x41: {  	_ =	shalt  }
0x42: {  	_ =	shalt  }
0x43: {  	_ =	shalt  }
0x44: {  	_ =	shalt  }
0x45: {  	_ =	shalt  }
0x46: {  	_ =	shalt  }
0x47: {  	_ =	shalt  }
0x48: {  	_ =	shalt  }
0x49: {  	_ =	shalt  }
0x4a: {  	_ =	shalt  }
0x4b: {  	_ =	shalt  }
0x4c: {  	_ =	shalt  }
0x4d: {  	_ =	shalt  }
0x4e: {  	_ =	shalt  }
0x4f: {  	_ =	shalt  }
0x50: {  	_ =	shalt  }
0x51: {  	_ =	shalt  }
0x52: {  	_ =	shalt  }
0x53: {  	_ =	shalt  }
0x54: {  	_ =	shalt  }
0x55: {  	_ =	shalt  }
0x56: {  	_ =	shalt  }
0x57: {  	_ =	shalt  }
0x58: {  	_ =	shalt  }
0x59: {  	_ =	shalt  }
0x5a: {  	_ =	shalt  }
0x5b: {  	_ =	shalt  }
0x5c: {  	_ =	shalt  }
0x5d: {  	_ =	shalt  }
0x5e: {  	_ =	shalt  }
0x5f: {  	_ =	shalt  }
0x60: {  	_ =	shalt  }
0x61: {  	_ =	shalt  }
0x62: {  	_ =	shalt  }
0x63: {  	_ =	shalt  }
0x64: {  	_ =	shalt  }
0x65: {  	_ =	shalt  }
0x66: {  	_ =	shalt  }
0x67: {  	_ =	shalt  }
0x68: {  	_ =	shalt  }
0x69: {  	_ =	shalt  }
0x6a: {  	_ =	shalt  }
0x6b: {  	_ =	shalt  }
0x6c: {  	_ =	shalt  }
0x6d: {  	_ =	shalt  }
0x6e: {  	_ =	shalt  }
0x6f: {  	_ =	shalt  }
0x70: {  	_ =	shalt  }
0x71: {  	_ =	shalt  }
0x72: {  	_ =	shalt  }
0x73: {  	_ =	shalt  }
0x74: {  	_ =	shalt  }
0x75: {  	_ =	shalt  }
0x76: {  	_ =	shalt  }
0x77: {  	_ =	shalt  }
0x78: {  	_ =	shalt  }
0x79: {  	_ =	shalt  }
0x7a: {  	_ =	shalt  }
0x7b: {  	_ =	shalt  }
0x7c: {  	_ =	shalt  }
0x7d: {  	_ =	shalt  }
0x7e: {  	_ =	shalt  }
0x7f: {  	_ =	shalt  }
0x80: {  	_ =	shalt  }
0x81: {  	_ =	shalt  }
0x82: {  	_ =	shalt  }
0x83: {  	_ =	shalt  }
0x84: {  	_ =	shalt  }
0x85: {  	_ =	shalt  }
0x86: {  	_ =	shalt  }
0x87: {  	_ =	shalt  }
.Lfunc_end0:
.L_simem_size_0:
called_computation.1_lowered:
.L_overlay_start_0:
0x88: {  	s2 =	sld [smem:$0x3FD9]  }
0x89: {  	s3 =	sld [smem:$0x3FFE];
	_ =	sdelay $0x1  }
0x8a: {  	s1 =	srdreg.scid  }
0x8b: {  	s0 =	sand.u32 $0x1, s1  }
0x8c: {  	s17 =	sshll.u32 s0, $0xA;
	s2 =	sadd.s32 s3, s2  }
0x8d: {  	s2 =	sadd.s32 s2, s17  }
0x8e: {  	[smem:$0x3FC1] =	sst s2  }
0x8f: {  	_ = 	snop  }
0x90: {  	s2 =	sld [smem:$0x3FD0];
	(tm) =	ssettm $0x1  }
0x91: {  	s18 =	sld [smem:$0x3FFB];
	_ =	sdelay $0x3  }
0x92: {  	_ =	strace s18  }
0x93: {  	s3 =	sld [smem:$0x3FFC];
	_ =	sdelay $0x3  }
0x94: {  	_ =	strace s3  }
0x95: {  	s3 =	sld [smem:$0x3FFD];
	_ =	sdelay $0x3  }
0x96: {  	_ =	strace s3  }
0x97: {  	_ =	strace $0x8FFFFFFF  }
0x98: {  	s19 =	sld [smem:$0x3FDB];
	_ =	sdelay $0x1  }
0x99: {  	s4 =	simm.s32 $_scs_section_size  }
0x9a: {  	s5 =	simm.s32 $_size__tile_overlayer_lowered;
	s6 =	simm.s32 $_tile_overlayer_lowered  }
0x9b: {  	s22 =	simm.s32 $0x1BFF;
	s21 =	sshll.u32 s6, $0x1;
	s3 =	sadd.s32 s4, s19  }
0x9c: {  	s7 =	simm.s32 $0x0;
	s20 =	sshll.u32 s5, $0x1;
	s5 =	sadd.s32 s21, s3  }
0x9d: {  	[timem:s7], [sflag:s22] =	dma.local [hbm:s5], s20  }
0x9e: {  	_ =	swait.ge [sflag:s22], s20  }
0x9f: {  	s4 =	ssub.s32 $0x0, s20;
	[sflag:s22] =	ssyncset.done $0x0  }
0xa0: {  	[sflag:s22] =	ssyncadd.s32 s4;
	_ =	sdelay $0x1  }
0xa1: {  	s23 =	simm.s32 $0x1B8B  }
0xa2: {  	_ =	swait.ge [sflag:s23], $0x1  }
0xa3: {  	[sflag:s23] =	ssyncset.done $0x0  }
0xa4: {  	s25 =	simm.s32 $0x1B8E;
	s24 =	sld [smem:$0x3FFE];
	[sflag:s23] =	ssyncadd.s32 $0xFFFFFFFF  }
0xa5: {  	s26 =	simm.s32 $execute0_lowered;
	[smem:$0x3FD2] =	sst s25  }
0xa6: {  	s5 =	sshll.u32 s26, $0x1;
	_ =	strace $0x80000049;
	[dreg:$0x1] =	wrdreg $0xFFFFFFFF  }
0xa7: {  	s28 =	simm.s32 $_size_execute0_lowered;
	s3 =	sadd.s32 s3, s5;
	[dreg:$0x0] =	wrdreg $0x0  }
0xa8: {  	s5 =	sshll.u32 s28, $0x1;
	[dreg:$0x2] =	wrdreg s3  }
0xa9: {  	[dreg:$0x3] =	wrdreg s5  }
0xaa: {  	[dreg:$0x4] =	wrdreg $0xC0  }
0xab: {  	_ =	task [dreg:s7], $0x5FFFF  }
0xac: {  	[dreg:$0x1] =	wrdreg $0xFFFFFFFF  }
0xad: {  	[dreg:$0x0] =	wrdreg $0x60  }
0xae: {  	[dreg:$0x2] =	wrdreg s24  }
0xaf: {  	[dreg:$0x3] =	wrdreg s2  }
0xb0: {  	[dreg:$0x4] =	wrdreg $0x9  }
0xb1: {  	_ =	task.clear_ibuf [dreg:s7], $0x5FFFF;
	_ =	strace $0x90000049  }
0xb2: {  	s29 =	simm.s32 $0x9;
	_ =	strace $0x8000004B  }
0xb3: {  	_ =	swait.ge [sflag:s29], $0x1  }
0xb4: {  	[sflag:s29] =	ssyncadd.s32 $0xFFFFFFFF  }
0xb5: {  	_ =	strace $0x9000004B  }
0xb6: {  	_ =	sfence  }
0xb7: {  	s30 =	sld [smem:$0x0];
	_ =	sdelay $0x2  }
0xb8: {  	s31 =	sshll.u32 s1, $0xD;
	s1 =	sshrl.u32 s1, $0x2  }
0xb9: {  	s3 =	sand.u32 $0x4000, s31;
	s1 =	sadd.s32 s1, s30  }
0xba: {  	s0 =	sor.u32 s3, s0;
	s1 =	sshll.u32 s1, $0x11  }
0xbb: {  	s0 =	sor.u32 s1, s0  }
0xbc: {  	s0 =	sadd.s32 $0x8F2B, s0  }
0xbd: {  	[sflag:s0] =	ssyncadd.remote.s32 $0x1  }
0xbe: {  	_ =	sfence.sel $0xFFFF  }
0xbf: {  	[dreg:$0x0] =	wrdreg $0xFFFFFFFF;
	(pc) =	sbr.abs _section_cstart, $3  }
0xc0: {  	[dreg:$0x1] =	wrdreg $0xFFFFFFFF  }
0xc1: {  	_ =	task.clear_ibuf [dreg:s7], $0x2FFFF;
	_ =	strace $0x9FFFFFFF  }
0xc2: {  	(tm) =	ssettm $0x7FFFFFFF  }
0xc3: {  	_ =	shalt  }
tec
execute0_lowered:
.L_overlay_start_1:
0x0: {  	(tag) =	ssettag $0x1  }
0x1: {  	s1 =	srdreg.scid;
	s7 =	rddreg [dreg:$0x0]  }
0x2: {  	s0 =	stileid.u32;
	s2 =	rddreg [dreg:$0x1];
	s3 =	simm.s32 $0x0  }
0x3: {  	s12 =	simm.s32 $0x3;
	s13 =	simm.s32 $0x100;
	s14 =	simm.s32 $0x200  }
0x4: {  	s15 =	simm.s32 $0xA00;
	s16 =	simm.s32 $0x1200;
	s17 =	simm.s32 $0x1A00  }
0x5: {  	s18 =	simm.s32 $0x2200;
	s19 =	simm.s32 $0x2A00;
	s20 =	simm.s32 $0x3200  }
0x6: {  	s21 =	simm.s32 $0x3A00;
	s22 =	simm.s32 $0x4200;
	s23 =	simm.s32 $0x4A00  }
0x7: {  	s24 =	simm.s32 $0x5200;
	s28 =	simm.s32 $0x6A00;
	s29 =	simm.s32 $0x7200  }
0x8: {  	s30 =	simm.s32 $0x7A00;
	s31 =	simm.s32 $0x1;
	s1 =	sand.u32 $0x1, s1  }
0x9: {  	s4 =	sshll.u32 s0, $0x6;
	[smem:$0x7FF] =	sst s3;
	s8 =	sadd.s32 $0x100, s2  }
0xa: {  	s9 =	sadd.s32 $0x200, s2;
	s10 =	sadd.s32 $0x300, s2;
	s5 =	sshll.u32 s1, $0x5  }
0xb: {  	_ =	strace $0x8000004A;
	s1 =	ssub.s32 $0x2, s1;
	s4 =	sor.u32 s5, s4  }
0xc: {  	s6 =	sshrl.u32 s1, $0x1;
	s5 =	sadd.s32 $0x1900, s7;
	s4 =	sadd.s32 s4, s7  }
0xd: {  	s1 =	ssub.s32 s1, s6;
	s6 =	sadd.s32 $0x1A00, s7;
	s25 =	sadd.s32 $0x1400, s4  }
0xe: {  	v2 =	vlaneseq.u32;
	s26 =	sadd.s32 $0x1000, s4;
	s4 =	sadd.s32 $0x1800, s7;
	s7 =	sadd.s32 $0x1B00, s7  }
0xf: {  	vm0 =	vmmov $0xffff;
	v1 =	vshrl.u32 v2, $0x3;
	s11 =	smax.u32 s1, $0x1;
	s1 =	simm.s32 $0x2;
	[dreg:$0x3] =	wrdreg s25  }
0x10: {  	v0 =	vand.u32 $0x7, v2;
	v2 =	vor.u32 $0x8, v2;
	v1 =	vmul.u32 $0x8, v1;
	[dreg:$0x4] =	wrdreg s26;
	s25 =	simm.s32 $0x5A00;
	s26 =	simm.s32 $0x6200  }
.LBB2_1:
0x11: {  	s0 =	rddreg [dreg:$0x3]  }
0x12: {  	[tilespmem:s3], [sflag:$0x3] =	stream.linear.gather [hbm4b:s0+s3], $0x100, $0x38;
	[tilespmem:$0x8200] =	vst v63  }
0x13: {  	_ =	swait.ge [sflag:s12], $0x100  }
0x14: {  	[sflag:s12] =	ssyncset.done $0x0  }
0x15: {  	s0 =	rddreg [dreg:$0x4];
	[sflag:s12] =	ssyncadd.s32 $0xFFFFFF00  }
0x16: {  	[tilespmem:s13], [sflag:$0x3] =	stream.linear.gather [hbm4b:s0+s3], $0x100, $0x38;
	[tilespmem:$0x8200] =	vst v63  }
0x17: {  	_ =	swait.ge [sflag:s12], $0x100  }
0x18: {  	[sflag:s12] =	ssyncset.done $0x0  }
0x19: {  	[sflag:s12] =	ssyncadd.s32 $0xFFFFFF00  }
0x1a: {  	v3 =	vld [tilespmem:$0x100];
	_ =	sdelay $0x4  }
0x1b: {  	v4 =	vshll.u32 v3, $0x3  }
0x1c: {  	v3 =	vand.u32 $0x7, v3;
	v4 =	vand.u32 $0xFFFFFFC0, v4  }
0x1d: {  	v3 =	vor.u32 v3, v4  }
0x1e: {  	v4 =	vperm.xlane v3, v0;
	_ =	sdelay $0x1  }
0x1f: {  	v4 =	vadd.s32 v1, v4;
	_ =	sdelay $0x4  }
0x20: {  	[tilespmem:s14], [sflag:$0x1] =	stream.indirect_vreg.gather [hbm4b:s4+s3], $0x80, v4, vm0, $0xb8;
	[tilespmem:$0x8200] =	vst v63  }
0x21: {  	v3 =	vperm.xlane v3, v2  }
0x22: {  	[tilespmem:s15], [sflag:$0x1] =	stream.indirect_vreg.gather [hbm4b:s5+s3], $0x80, v4, vm0, $0xb8;
	[tilespmem:$0x8200] =	vst v63  }
0x23: {  	v3 =	vadd.s32 v1, v3  }
0x24: {  	[tilespmem:s16], [sflag:$0x1] =	stream.indirect_vreg.gather [hbm4b:s6+s3], $0x80, v4, vm0, $0xb8;
	[tilespmem:$0x8200] =	vst v63  }
0x25: {  	_ = 	snop  }
0x26: {  	[tilespmem:s17], [sflag:$0x1] =	stream.indirect_vreg.gather [hbm4b:s7+s3], $0x80, v4, vm0, $0xb8;
	[tilespmem:$0x8200] =	vst v63  }
0x27: {  	_ = 	snop  }
0x28: {  	[tilespmem:s18], [sflag:$0x1] =	stream.indirect_vreg.gather [hbm4b:s4+s3], $0x80, v3, vm0, $0xb8;
	[tilespmem:$0x8200] =	vst v63  }
0x29: {  	_ = 	snop  }
0x2a: {  	[tilespmem:s19], [sflag:$0x1] =	stream.indirect_vreg.gather [hbm4b:s5+s3], $0x80, v3, vm0, $0xb8;
	[tilespmem:$0x8200] =	vst v63  }
0x2b: {  	_ = 	snop  }
0x2c: {  	[tilespmem:s20], [sflag:$0x1] =	stream.indirect_vreg.gather [hbm4b:s6+s3], $0x80, v3, vm0, $0xb8;
	[tilespmem:$0x8200] =	vst v63  }
0x2d: {  	_ = 	snop  }
0x2e: {  	[tilespmem:s21], [sflag:$0x1] =	stream.indirect_vreg.gather [hbm4b:s7+s3], $0x80, v3, vm0, $0xb8;
	[tilespmem:$0x8200] =	vst v63  }
0x2f: {  	v3 =	vld [tilespmem:$0x180];
	_ =	sdelay $0x4  }
0x30: {  	v61 =	vshll.u32 v3, $0x3  }
0x31: {  	v3 =	vand.u32 $0x7, v3;
	v4 =	vand.u32 $0xFFFFFFC0, v61  }
0x32: {  	v3 =	vor.u32 v3, v4  }
0x33: {  	v4 =	vperm.xlane v3, v0;
	_ =	sdelay $0x1  }
0x34: {  	v4 =	vadd.s32 v1, v4;
	_ =	sdelay $0x4  }
0x35: {  	[tilespmem:s22], [sflag:$0x2] =	stream.indirect_vreg.gather [hbm4b:s4+s3], $0x80, v4, vm0, $0xb8;
	[tilespmem:$0x8200] =	vst v63  }
0x36: {  	v3 =	vperm.xlane v3, v2  }
0x37: {  	[tilespmem:s23], [sflag:$0x2] =	stream.indirect_vreg.gather [hbm4b:s5+s3], $0x80, v4, vm0, $0xb8;
	[tilespmem:$0x8200] =	vst v63  }
0x38: {  	v3 =	vadd.s32 v1, v3  }
0x39: {  	[tilespmem:s24], [sflag:$0x2] =	stream.indirect_vreg.gather [hbm4b:s6+s3], $0x80, v4, vm0, $0xb8;
	[tilespmem:$0x8200] =	vst v63  }
0x3a: {  	_ = 	snop  }
0x3b: {  	[tilespmem:s25], [sflag:$0x2] =	stream.indirect_vreg.gather [hbm4b:s7+s3], $0x80, v4, vm0, $0xb8;
	[tilespmem:$0x8200] =	vst v63  }
0x3c: {  	_ = 	snop  }
0x3d: {  	[tilespmem:s26], [sflag:$0x2] =	stream.indirect_vreg.gather [hbm4b:s4+s3], $0x80, v3, vm0, $0xb8;
	[tilespmem:$0x8200] =	vst v63  }
0x3e: {  	_ = 	snop  }
0x3f: {  	[tilespmem:s28], [sflag:$0x2] =	stream.indirect_vreg.gather [hbm4b:s5+s3], $0x80, v3, vm0, $0xb8;
	[tilespmem:$0x8200] =	vst v63  }
0x40: {  	_ = 	snop  }
0x41: {  	[tilespmem:s29], [sflag:$0x2] =	stream.indirect_vreg.gather [hbm4b:s6+s3], $0x80, v3, vm0, $0xb8;
	[tilespmem:$0x8200] =	vst v63  }
0x42: {  	_ = 	snop  }
0x43: {  	[tilespmem:s30], [sflag:$0x2] =	stream.indirect_vreg.gather [hbm4b:s7+s3], $0x80, v3, vm0, $0xb8;
	[tilespmem:$0x8200] =	vst v63  }
0x44: {  	_ =	swait.ge [sflag:s31], $0x4000  }
0x45: {  	[sflag:s31] =	ssyncset.done $0x0  }
0x46: {  	[sflag:s31] =	ssyncadd.s32 $0xFFFFC000  }
0x47: {  	v3 =	vld [tilespmem:$0x0];
	_ =	sdelay $0x4  }
0x48: {  	v62 =	vshll.u32 v3, $0x3  }
0x49: {  	v3 =	vand.u32 $0x7, v3;
	v4 =	vand.u32 $0xFFFFFFC0, v62  }
0x4a: {  	v3 =	vor.u32 v3, v4  }
0x4b: {  	v4 =	vperm.xlane v3, v0;
	_ =	sdelay $0x1  }
0x4c: {  	v4 =	vadd.s32 v1, v4;
	_ =	sdelay $0x4  }
0x4d: {  	[hbm4b:s2+s3] =	stream.indirect_vreg.scatter [tilespmem:s14], [sflag:$0x1], $0x80, v4, vm0, $0xb8;
	[tilespmem:$0x8200] =	vst v63  }
0x4e: {  	v3 =	vperm.xlane v3, v2  }
0x4f: {  	[hbm4b:s8+s3] =	stream.indirect_vreg.scatter [tilespmem:s15], [sflag:$0x1], $0x80, v4, vm0, $0xb8;
	[tilespmem:$0x8200] =	vst v63  }
0x50: {  	v3 =	vadd.s32 v1, v3  }
0x51: {  	[hbm4b:s9+s3] =	stream.indirect_vreg.scatter [tilespmem:s16], [sflag:$0x1], $0x80, v4, vm0, $0xb8;
	[tilespmem:$0x8200] =	vst v63  }
0x52: {  	_ = 	snop  }
0x53: {  	[hbm4b:s10+s3] =	stream.indirect_vreg.scatter [tilespmem:s17], [sflag:$0x1], $0x80, v4, vm0, $0xb8;
	[tilespmem:$0x8200] =	vst v63  }
0x54: {  	_ = 	snop  }
0x55: {  	[hbm4b:s2+s3] =	stream.indirect_vreg.scatter [tilespmem:s18], [sflag:$0x1], $0x80, v3, vm0, $0xb8;
	[tilespmem:$0x8200] =	vst v63  }
0x56: {  	_ = 	snop  }
0x57: {  	[hbm4b:s8+s3] =	stream.indirect_vreg.scatter [tilespmem:s19], [sflag:$0x1], $0x80, v3, vm0, $0xb8;
	[tilespmem:$0x8200] =	vst v63  }
0x58: {  	_ = 	snop  }
0x59: {  	[hbm4b:s9+s3] =	stream.indirect_vreg.scatter [tilespmem:s20], [sflag:$0x1], $0x80, v3, vm0, $0xb8;
	[tilespmem:$0x8200] =	vst v63  }
0x5a: {  	_ = 	snop  }
0x5b: {  	[hbm4b:s10+s3] =	stream.indirect_vreg.scatter [tilespmem:s21], [sflag:$0x1], $0x80, v3, vm0, $0xb8;
	[tilespmem:$0x8200] =	vst v63  }
0x5c: {  	_ =	swait.ge [sflag:s1], $0x4000  }
0x5d: {  	[sflag:s1] =	ssyncset.done $0x0  }
0x5e: {  	[sflag:s1] =	ssyncadd.s32 $0xFFFFC000  }
0x5f: {  	v3 =	vld [tilespmem:$0x80];
	_ =	sdelay $0x4  }
0x60: {  	v63 =	vshll.u32 v3, $0x3  }
0x61: {  	v3 =	vand.u32 $0x7, v3;
	v4 =	vand.u32 $0xFFFFFFC0, v63  }
0x62: {  	v3 =	vor.u32 v3, v4  }
0x63: {  	v4 =	vperm.xlane v3, v0;
	_ =	sdelay $0x1  }
0x64: {  	v4 =	vadd.s32 v1, v4;
	_ =	sdelay $0x4  }
0x65: {  	[hbm4b:s2+s3] =	stream.indirect_vreg.scatter [tilespmem:s22], [sflag:$0x2], $0x80, v4, vm0, $0xb8;
	[tilespmem:$0x8200] =	vst v63  }
0x66: {  	v3 =	vperm.xlane v3, v2  }
0x67: {  	[hbm4b:s8+s3] =	stream.indirect_vreg.scatter [tilespmem:s23], [sflag:$0x2], $0x80, v4, vm0, $0xb8;
	[tilespmem:$0x8200] =	vst v63  }
0x68: {  	v3 =	vadd.s32 v1, v3  }
0x69: {  	[hbm4b:s9+s3] =	stream.indirect_vreg.scatter [tilespmem:s24], [sflag:$0x2], $0x80, v4, vm0, $0xb8;
	[tilespmem:$0x8200] =	vst v63  }
0x6a: {  	_ = 	snop  }
0x6b: {  	[hbm4b:s10+s3] =	stream.indirect_vreg.scatter [tilespmem:s25], [sflag:$0x2], $0x80, v4, vm0, $0xb8;
	[tilespmem:$0x8200] =	vst v63  }
0x6c: {  	_ = 	snop  }
0x6d: {  	[hbm4b:s2+s3] =	stream.indirect_vreg.scatter [tilespmem:s26], [sflag:$0x2], $0x80, v3, vm0, $0xb8;
	[tilespmem:$0x8200] =	vst v63  }
0x6e: {  	_ = 	snop  }
0x6f: {  	[hbm4b:s8+s3] =	stream.indirect_vreg.scatter [tilespmem:s28], [sflag:$0x2], $0x80, v3, vm0, $0xb8;
	[tilespmem:$0x8200] =	vst v63  }
0x70: {  	_ = 	snop  }
0x71: {  	[hbm4b:s9+s3] =	stream.indirect_vreg.scatter [tilespmem:s29], [sflag:$0x2], $0x80, v3, vm0, $0xb8;
	[tilespmem:$0x8200] =	vst v63  }
0x72: {  	_ = 	snop  }
0x73: {  	[hbm4b:s10+s3] =	stream.indirect_vreg.scatter [tilespmem:s30], [sflag:$0x2], $0x80, v3, vm0, $0xb8;
	[tilespmem:$0x8200] =	vst v63  }
0x74: {  	p0 =	sne.s32 s11, $0x1;
	_ =	swait.ge [sflag:s31], $0x4000  }
.Ltmp0:
0x75: {  	[sflag:s31] =	ssyncset.done $0x0;
	(pc) =	sbr.rel @p0 .LBB2_1-.Ltmp0, $4  }
0x76: {  	[sflag:s31] =	ssyncadd.s32 $0xFFFFC000  }
0x77: {  	_ =	swait.ge [sflag:s1], $0x4000  }
0x78: {  	[sflag:s1] =	ssyncset.done $0x0  }
0x79: {  	s11 =	sadd.s32 $0xFFFFFFFF, s11;
	[sflag:s1] =	ssyncadd.s32 $0xFFFFC000  }
0x7a: {  	_ =	sfence.sel $0x180000  }
0x7b: {  	[bflag:$0x0] =	sbarrier.arrive $0xFFFF  }
0x7c: {  	_ =	strace $0x9000004A  }
0x7d: {  	s0 =	stileid.u32;
	[bflag:$0x2] =	sbarrier.arrive $0xFFFF  }
0x7e: {  	p0 =	sne.s32 s0, $0x0;
	s0 =	rddreg [dreg:$0x2]  }
0x7f: {  	s0 =	sadd.s32 @!p0 $0x100000, s0  }
0x80: {  	[sflag:s0] =	ssyncadd.tile.s32 @!p0 $0x1;
	_ =	shalt  }
.Lfunc_end2:
_tile_overlayer_lowered:
.L_overlay_start_2:
0x81: {  	(tag) =	ssettag $0x2  }
0x82: {  	s0 =	rddreg [dreg:$0x0];
	s2 =	stileid.u32  }
0x83: {  	s1 =	rddreg [dreg:$0x1];
	p0 =	sne.s32 s2, $0x0  }
0x84: {  	s3 =	rddreg [dreg:$0x2];
	[bflag:$0x3] =	sbarrier.arrive $0xFFFF;
	s2 =	simm.s32 @!p0 $0x1C03  }
0x85: {  	[timem:s3], [sflag:s2] =	dma.local @!p0 [hbm:s0], s1  }
0x86: {  	s0 =	simm.s32 @!p0 $0x3  }
0x87: {  	_ =	swait.ge @!p0 [sflag:s0], s1  }
0x88: {  	s1 =	ssub.s32 @!p0 $0x0, s1;
	[sflag:s0] =	ssyncset.done @!p0 $0x0  }
0x89: {  	[sflag:s0] =	ssyncadd.s32 @!p0 s1  }
0x8a: {  	[bflag:$0x3] =	sbarrier.arrive $0xFFFF  }
0x8b: {  	_ =	shalt  }

</sc_bundles>
